<compile_context>
chip_gen: v7x
topology: tpu7x:2x2x1
jax: 0.10.2.dev20260603
libtpu: 0.0.44.dev20260713+nightly
codegen_flags: <defaults>
</compile_context>

<pallas_src>
import jax
import jax.numpy as jnp
from jax import lax
from jax.experimental import pallas as pl
from jax.experimental.pallas import tpu as pltpu
from jax.experimental.pallas import tpu_sc as plsc

B = 16384
D = 64
EPS_BN = 1e-5
EPS_LN = 1e-5
TEMP = 0.07

NC = 2
NS = 16
NW = NC * NS
NV = 1000000
TC_W = 128
CHUNK = 128


def _sc_gather_body(ue2_tab, ie2_tab, uidx2, iidx2, ue_out, ie_out,
                    uidx_v, iidx_v, urows, irows, sem):
    wid = lax.axis_index("s") * NC + lax.axis_index("c")
    b_per_w = B // NW
    wbase = wid * b_per_w
    for c in range(b_per_w // CHUNK):
        base = wbase + c * CHUNK
        pltpu.sync_copy(uidx2.at[pl.ds(base, CHUNK)], uidx_v)
        pltpu.sync_copy(iidx2.at[pl.ds(base, CHUNK)], iidx_v)
        cu = pltpu.async_copy(ue2_tab.at[uidx_v], urows, sem)
        ci = pltpu.async_copy(ie2_tab.at[iidx_v], irows, sem)
        cu.wait()
        ci.wait()
        pltpu.sync_copy(urows, ue_out.at[pl.ds(base, CHUNK)])
        pltpu.sync_copy(irows, ie_out.at[pl.ds(base, CHUNK)])


def _sc_gather(ue2_tab, ie2_tab, uidx2, iidx2):
    mesh = plsc.VectorSubcoreMesh(core_axis_name="c", subcore_axis_name="s",
                                  num_cores=NC, num_subcores=NS)
    fn = pl.kernel(
        _sc_gather_body,
        out_type=(jax.ShapeDtypeStruct((B, TC_W), jnp.float32),
                  jax.ShapeDtypeStruct((B, TC_W), jnp.float32)),
        mesh=mesh,
        scratch_types=(
            pltpu.VMEM((CHUNK,), jnp.int32),
            pltpu.VMEM((CHUNK,), jnp.int32),
            pltpu.VMEM((CHUNK, TC_W), jnp.float32),
            pltpu.VMEM((CHUNK, TC_W), jnp.float32),
            pltpu.SemaphoreType.DMA,
        ),
        compiler_params=pltpu.CompilerParams(use_tc_tiling_on_sc=True),
    )
    return fn(ue2_tab, ie2_tab, uidx2, iidx2)


RB = 8192


NPAIR = (NV + 2 * RB - 1) // (2 * RB)
NPACK = NPAIR * RB


def _repack_body(lo_ref, hi_ref, out_ref):
    out_ref[...] = jnp.concatenate(
        [jnp.transpose(lo_ref[...]), jnp.transpose(hi_ref[...])], axis=1)


def _tc_repack(tabT):
    return pl.pallas_call(
        _repack_body,
        grid=(NPAIR,),
        in_specs=[
            pl.BlockSpec((D, RB), lambda i: (0, 2 * i)),
            pl.BlockSpec((D, RB),
                         lambda i: (0, jnp.minimum(2 * i + 1, NV // RB))),
        ],
        out_specs=pl.BlockSpec((RB, 2 * D), lambda i: (i, 0)),
        out_shape=jax.ShapeDtypeStruct((NPACK, 2 * D), jnp.float32),
    )(tabT, tabT)


BS = 1024


def _dgT(xT, w):
    return lax.dot_general(xT, w, (((0,), (0,)), ((), ())),
                           preferred_element_type=jnp.float32)


def _tc_body(ufT_ref, ue_ref, upar_ref, cidx_ref, sidx_ref, ifT_ref,
             ie_ref, ipar_ref, ce_ref, se_ref,
             uW1a_ref, uW1b_ref, uW1c_ref, uW1d_ref, ub1_ref, us1_ref,
             ube1_ref, uW2_ref, ub2_ref, us2_ref, ube2_ref, uW3_ref, ub3_ref,
             iW1a_ref, iW1b_ref, ib1_ref, is1_ref, ibe1_ref,
             iW2_ref, ib2_ref, is2_ref, ibe2_ref, iW3_ref, ib3_ref,
             lng_ref, lnb_ref, out_ref):
    f32 = jnp.float32

    cidx = cidx_ref[...]
    sidx = sidx_ref[...]
    lanes = lax.broadcasted_iota(jnp.int32, (BS, 32), 1)
    onec = (cidx[:, None] == lanes).astype(f32)
    ones = (sidx[:, None] == lanes).astype(f32)
    tc = jnp.dot(ce_ref[...], uW1c_ref[...], preferred_element_type=f32)
    ts = jnp.dot(se_ref[...], uW1d_ref[...], preferred_element_type=f32)

    ue = jnp.where(upar_ref[...][:, None] == 1, ue_ref[:, D:], ue_ref[:, :D])
    ie = jnp.where(ipar_ref[...][:, None] == 1, ie_ref[:, D:], ie_ref[:, :D])
    h = (_dgT(ufT_ref[...], uW1a_ref[...])
         + jnp.dot(ue, uW1b_ref[...], preferred_element_type=f32)
         + jnp.dot(onec, tc, preferred_element_type=f32)
         + jnp.dot(ones, ts, preferred_element_type=f32) + ub1_ref[...])
    h = jnp.maximum(h, 0.0) * us1_ref[...] + ube1_ref[...]
    h = jnp.maximum(jnp.dot(h, uW2_ref[...], preferred_element_type=f32)
                    + ub2_ref[...], 0.0)
    h = h * us2_ref[...] + ube2_ref[...]
    uo = jnp.dot(h, uW3_ref[...], preferred_element_type=f32) + ub3_ref[...]

    h = (_dgT(ifT_ref[...], iW1a_ref[...])
         + jnp.dot(ie, iW1b_ref[...], preferred_element_type=f32)
         + ib1_ref[...])
    h = jnp.maximum(h, 0.0) * is1_ref[...] + ibe1_ref[...]
    h = jnp.maximum(jnp.dot(h, iW2_ref[...], preferred_element_type=f32)
                    + ib2_ref[...], 0.0)
    h = h * is2_ref[...] + ibe2_ref[...]
    io = jnp.dot(h, iW3_ref[...], preferred_element_type=f32) + ib3_ref[...]

    def ln(x):
        mu = jnp.mean(x, axis=-1, keepdims=True)
        xc = x - mu
        var = jnp.mean(xc * xc, axis=-1, keepdims=True)
        return xc * lax.rsqrt(var + EPS_LN) * lng_ref[...] + lnb_ref[...]

    uo = ln(uo)
    io = ln(io)
    un = jnp.sum(uo * uo, axis=-1, keepdims=True)
    inn = jnp.sum(io * io, axis=-1, keepdims=True)
    dot = jnp.sum(uo * io, axis=-1, keepdims=True)
    denom = jnp.maximum(jnp.sqrt(un), 1e-12) * jnp.maximum(jnp.sqrt(inn), 1e-12)
    out_ref[...] = dot / denom * (1.0 / TEMP)


def _tc_towers(ufT, ue, upar, cidx, sidx, ifT, ie, ipar, cep, sep, *weights):
    grid = (B // BS,)
    colb = lambda i: (0, i)
    rowb = lambda i: (i, 0)
    rep2 = lambda i: (0, 0)
    in_specs = [
        pl.BlockSpec((D, BS), colb),
        pl.BlockSpec((BS, TC_W), rowb),
        pl.BlockSpec((BS,), lambda i: (i,)),
        pl.BlockSpec((BS,), lambda i: (i,)),
        pl.BlockSpec((BS,), lambda i: (i,)),
        pl.BlockSpec((D, BS), colb),
        pl.BlockSpec((BS, TC_W), rowb),
        pl.BlockSpec((BS,), lambda i: (i,)),
        pl.BlockSpec((32, D), rep2),
        pl.BlockSpec((32, D), rep2),
    ]
    for w in weights:
        in_specs.append(pl.BlockSpec(w.shape, rep2))
    return pl.pallas_call(
        _tc_body,
        grid=grid,
        in_specs=in_specs,
        out_specs=pl.BlockSpec((BS, 1), rowb),
        out_shape=jax.ShapeDtypeStruct((B, 1), jnp.float32),
    )(ufT, ue, upar, cidx, sidx, ifT, ie, ipar, cep, sep, *weights)


def kernel(user_idx, user_features, user_color_idx, user_size_idx, item_idx,
           item_features, ue_tab, ie_tab, ce_tab, se_tab,
           uW1, ub1, ug1, ube1, uW2, ub2, ug2, ube2, uW3, ub3,
           iW1, ib1, ig1, ibe1, iW2, ib2, ig2, ibe2, iW3, ib3,
           ln_g, ln_b):
    f32 = jnp.float32
    uidx = user_idx.astype(jnp.int32)
    iidx = item_idx.astype(jnp.int32)
    cidx = user_color_idx.astype(jnp.int32)
    sidx = user_size_idx.astype(jnp.int32)

    uq, ur = uidx >> 13, uidx & (RB - 1)
    iq, ir = iidx >> 13, iidx & (RB - 1)
    ue, ie = _sc_gather(_tc_repack(ue_tab.T), _tc_repack(ie_tab.T),
                        ((uq >> 1) << 13) | ur, ((iq >> 1) << 13) | ir)
    upar = uq & 1
    ipar = iq & 1

    bns = 1.0 / jnp.sqrt(jnp.asarray(1.0 + EPS_BN, f32))
    cep = jnp.zeros((32, D), f32).at[:22].set(ce_tab)
    sep = jnp.zeros((32, D), f32).at[:18].set(se_tab)
    row2 = lambda v: v.reshape(1, -1)
    weights = (
        uW1[:, :64].T, uW1[:, 64:128].T, uW1[:, 128:192].T, uW1[:, 192:].T,
        row2(ub1), row2(ug1 * bns), row2(ube1),
        uW2.T, row2(ub2), row2(ug2 * bns), row2(ube2), uW3.T, row2(ub3),
        iW1[:, :64].T, iW1[:, 64:].T,
        row2(ib1), row2(ig1 * bns), row2(ibe1),
        iW2.T, row2(ib2), row2(ig2 * bns), row2(ibe2), iW3.T, row2(ib3),
        row2(ln_g), row2(ln_b))
    return _tc_towers(user_features.T, ue, upar, cidx, sidx,
                      item_features.T, ie, ipar, cep, sep, *weights)

# --- scband reference (transcript-rebuilt; emitter-appended) ---
"""Pipeline reference for scband-simplified-two-tower-model-14551349199467 (READ-ONLY COPY).

The authoritative reference and input builder live on the scoring server;
editing this copy changes nothing except your own understanding.
"""

import jax, jax.numpy as jnp
import numpy as np

B = 16384
NU = 1000000
NI = 1000000
D = 64
UF = 64
IF = 64
H1 = 128
H2 = 64
EPS_BN = 1e-5
EPS_LN = 1e-5
TEMP = 0.07


def setup_inputs(seed: int = 0) -> dict:
    key = jax.random.key(seed)
    ks = jax.random.split(key, 34)
    inp = {}
    inp['user_idx'] = jax.random.randint(ks[0], (B,), 0, NU)
    inp['user_features'] = jax.random.normal(ks[1], (B, UF), dtype=jnp.float32)
    inp['user_color_idx'] = jax.random.randint(ks[2], (B,), 0, 22)
    inp['user_size_idx'] = jax.random.randint(ks[3], (B,), 0, 18)
    inp['item_idx'] = jax.random.randint(ks[4], (B,), 0, NI)
    inp['item_features'] = jax.random.normal(ks[5], (B, IF), dtype=jnp.float32)
    # embedding tables (xavier-uniform-like scale)
    inp['ue_tab'] = jax.random.normal(ks[6], (NU, D), dtype=jnp.float32) * 0.01
    inp['ie_tab'] = jax.random.normal(ks[7], (NI, D), dtype=jnp.float32) * 0.01
    inp['ce_tab'] = jax.random.normal(ks[8], (22, D), dtype=jnp.float32) * 0.1
    inp['se_tab'] = jax.random.normal(ks[9], (18, D), dtype=jnp.float32) * 0.1
    # user tower: in = UF + 3*D = 256
    uin = UF + 3 * D
    inp['uW1'] = jax.random.normal(ks[10], (H1, uin), dtype=jnp.float32) * (1.0 / np.sqrt(uin))
    inp['ub1'] = jnp.zeros((H1,), dtype=jnp.float32)
    inp['ug1'] = jnp.ones((H1,), dtype=jnp.float32)
    inp['ube1'] = jnp.zeros((H1,), dtype=jnp.float32)
    inp['uW2'] = jax.random.normal(ks[11], (H2, H1), dtype=jnp.float32) * (1.0 / np.sqrt(H1))
    inp['ub2'] = jnp.zeros((H2,), dtype=jnp.float32)
    inp['ug2'] = jnp.ones((H2,), dtype=jnp.float32)
    inp['ube2'] = jnp.zeros((H2,), dtype=jnp.float32)
    inp['uW3'] = jax.random.normal(ks[12], (D, H2), dtype=jnp.float32) * (1.0 / np.sqrt(H2))
    inp['ub3'] = jnp.zeros((D,), dtype=jnp.float32)
    # item tower: in = IF + D = 128
    iin = IF + D
    inp['iW1'] = jax.random.normal(ks[13], (H1, iin), dtype=jnp.float32) * (1.0 / np.sqrt(iin))
    inp['ib1'] = jnp.zeros((H1,), dtype=jnp.float32)
    inp['ig1'] = jnp.ones((H1,), dtype=jnp.float32)
    inp['ibe1'] = jnp.zeros((H1,), dtype=jnp.float32)
    inp['iW2'] = jax.random.normal(ks[14], (H2, H1), dtype=jnp.float32) * (1.0 / np.sqrt(H1))
    inp['ib2'] = jnp.zeros((H2,), dtype=jnp.float32)
    inp['ig2'] = jnp.ones((H2,), dtype=jnp.float32)
    inp['ibe2'] = jnp.zeros((H2,), dtype=jnp.float32)
    inp['iW3'] = jax.random.normal(ks[15], (D, H2), dtype=jnp.float32) * (1.0 / np.sqrt(H2))
    inp['ib3'] = jnp.zeros((D,), dtype=jnp.float32)
    inp['ln_g'] = jnp.ones((D,), dtype=jnp.float32)
    inp['ln_b'] = jnp.zeros((D,), dtype=jnp.float32)
    return inp


def _bn_eval(x, g, b):
    # eval-mode BatchNorm1d with running_mean=0, running_var=1
    return x / jnp.sqrt(1.0 + EPS_BN) * g + b


def _tower(x, W1, b1, g1, be1, W2, b2, g2, be2, W3, b3):
    h = jnp.maximum(x @ W1.T + b1, 0.0)
    h = _bn_eval(h, g1, be1)
    h = jnp.maximum(h @ W2.T + b2, 0.0)
    h = _bn_eval(h, g2, be2)
    return h @ W3.T + b3


def _layernorm(x, g, b):
    mu = jnp.mean(x, axis=-1, keepdims=True)
    var = jnp.mean((x - mu) ** 2, axis=-1, keepdims=True)
    return (x - mu) / jnp.sqrt(var + EPS_LN) * g + b


def _l2norm(x):
    n = jnp.sqrt(jnp.sum(x * x, axis=-1, keepdims=True))
    return x / jnp.maximum(n, 1e-12)


def reference(user_idx, user_features, user_color_idx, user_size_idx, item_idx,
              item_features, ue_tab, ie_tab, ce_tab, se_tab,
              uW1, ub1, ug1, ube1, uW2, ub2, ug2, ube2, uW3, ub3,
              iW1, ib1, ig1, ibe1, iW2, ib2, ig2, ibe2, iW3, ib3,
              ln_g, ln_b):
    user_emb = jnp.take(ue_tab, user_idx, axis=0)
    color_emb = jnp.take(ce_tab, user_color_idx, axis=0)
    size_emb = jnp.take(se_tab, user_size_idx, axis=0)
    user_input = jnp.concatenate([user_features, user_emb, color_emb, size_emb], axis=-1)
    user_vec = _layernorm(_tower(user_input, uW1, ub1, ug1, ube1, uW2, ub2, ug2, ube2, uW3, ub3), ln_g, ln_b)
    item_emb = jnp.take(ie_tab, item_idx, axis=0)
    item_input = jnp.concatenate([item_features, item_emb], axis=-1)
    item_vec = _layernorm(_tower(item_input, iW1, ib1, ig1, ibe1, iW2, ib2, ig2, ibe2, iW3, ib3), ln_g, ln_b)
    nu = _l2norm(user_vec)
    ni = _l2norm(item_vec)
    score = jnp.sum(nu * ni, axis=-1, keepdims=True) / TEMP
    return score

if __name__ == "__main__":
    import jax
    _d = setup_inputs()
    print(jax.jit(kernel)(*tuple(_d.values())))

</pallas_src>

<mosaic_0001>
#map = affine_map<(d0, d1) -> (0, 0)>
#map1 = affine_map<(d0, d1) -> (0)>
module attributes {stable_mosaic.version = 14 : i64} {
  func.func @_sc_gather_body(%arg0: i32, %arg1: i32, %arg2: memref<507904x128xf32, #tpu.memory_space<hbm>>, %arg3: memref<507904x128xf32, #tpu.memory_space<hbm>>, %arg4: memref<16384xi32, #tpu.memory_space<hbm>>, %arg5: memref<16384xi32, #tpu.memory_space<hbm>>, %arg6: memref<16384x128xf32, #tpu.memory_space<hbm>>, %arg7: memref<16384x128xf32, #tpu.memory_space<hbm>>, %arg8: memref<128xi32, #tpu.memory_space<vmem>>, %arg9: memref<128xi32, #tpu.memory_space<vmem>>, %arg10: memref<128x128xf32, #tpu.memory_space<vmem>>, %arg11: memref<128x128xf32, #tpu.memory_space<vmem>>, %arg12: memref<!tpu.dma_semaphore, #tpu.memory_space<semaphore_mem>>) attributes {dimension_semantics = [#tpu.dimension_semantics<core_parallel>, #tpu.dimension_semantics<subcore_parallel>], iteration_bounds = array<i64: 2, 16>, scalar_prefetch = 0 : i64, scratch_operands = 5 : i64, tpu.core_type = #tpu.core_type<sc_vector_subcore>, window_params = [{transform_indices = #map}, {transform_indices = #map}, {transform_indices = #map1}, {transform_indices = #map1}, {transform_indices = #map}, {transform_indices = #map}]} {
    %mul3A = arith.constant 2 : i32
    %mul3A_0 = arith.muli %arg1, %mul3A : i32
    %add3A = arith.addi %mul3A_0, %arg0 : i32
    %mul3A_1 = arith.constant 512 : i32
    %mul3A_2 = arith.muli %add3A, %mul3A_1 : i32
    %add3A_3 = arith.constant 0 : i32
    %add3A_4 = arith.addi %mul3A_2, %add3A_3 : i32
    "tpu.region"() ({
      %run_scoped3A = tpu.sem_alloc : memref<!tpu.dma_semaphore, #tpu.memory_space<semaphore_mem>>
      %dma_start3A_57 = tpu.memref_slice %arg4[%add3A_4] : memref<16384xi32, #tpu.memory_space<hbm>> -> memref<128xi32, #tpu.memory_space<hbm>>
      %dma_start3A_58 = tpu.memref_slice %arg4[%add3A_4] : memref<16384xi32, #tpu.memory_space<hbm>> -> memref<128xi32, #tpu.memory_space<hbm>>
      tpu.enqueue_dma source(%dma_start3A_58 : memref<128xi32, #tpu.memory_space<hbm>>) target(%arg8 : memref<128xi32, #tpu.memory_space<vmem>>) target_semaphore(%run_scoped3A : memref<!tpu.dma_semaphore, #tpu.memory_space<semaphore_mem>>)
      %dma_wait3A_59 = tpu.memref_slice %arg4[%add3A_4] : memref<16384xi32, #tpu.memory_space<hbm>> -> memref<128xi32, #tpu.memory_space<hbm>>
      %dma_wait3A_60 = tpu.memref_slice %arg4[%add3A_4] : memref<16384xi32, #tpu.memory_space<hbm>> -> memref<128xi32, #tpu.memory_space<hbm>>
      tpu.wait_dma2 semaphore(%run_scoped3A : memref<!tpu.dma_semaphore, #tpu.memory_space<semaphore_mem>>) src(%dma_wait3A_60 : memref<128xi32, #tpu.memory_space<hbm>>) dst(%arg8 : memref<128xi32, #tpu.memory_space<vmem>>)
      tpu.yield
    }) : () -> ()
    "tpu.region"() ({
      %run_scoped3A = tpu.sem_alloc : memref<!tpu.dma_semaphore, #tpu.memory_space<semaphore_mem>>
      %dma_start3A_57 = tpu.memref_slice %arg5[%add3A_4] : memref<16384xi32, #tpu.memory_space<hbm>> -> memref<128xi32, #tpu.memory_space<hbm>>
      %dma_start3A_58 = tpu.memref_slice %arg5[%add3A_4] : memref<16384xi32, #tpu.memory_space<hbm>> -> memref<128xi32, #tpu.memory_space<hbm>>
      tpu.enqueue_dma source(%dma_start3A_58 : memref<128xi32, #tpu.memory_space<hbm>>) target(%arg9 : memref<128xi32, #tpu.memory_space<vmem>>) target_semaphore(%run_scoped3A : memref<!tpu.dma_semaphore, #tpu.memory_space<semaphore_mem>>)
      %dma_wait3A_59 = tpu.memref_slice %arg5[%add3A_4] : memref<16384xi32, #tpu.memory_space<hbm>> -> memref<128xi32, #tpu.memory_space<hbm>>
      %dma_wait3A_60 = tpu.memref_slice %arg5[%add3A_4] : memref<16384xi32, #tpu.memory_space<hbm>> -> memref<128xi32, #tpu.memory_space<hbm>>
      tpu.wait_dma2 semaphore(%run_scoped3A : memref<!tpu.dma_semaphore, #tpu.memory_space<semaphore_mem>>) src(%dma_wait3A_60 : memref<128xi32, #tpu.memory_space<hbm>>) dst(%arg9 : memref<128xi32, #tpu.memory_space<vmem>>)
      tpu.yield
    }) : () -> ()
    %dma_start3A = arith.constant 0 : i32
    %dma_start3A_5 = arith.constant 0 : i32
    %dma_start3A_6 = tpu.memref_slice %arg2[%dma_start3A, %dma_start3A_5] : memref<507904x128xf32, #tpu.memory_space<hbm>> -> memref<507904x128xf32, #tpu.memory_space<hbm>>
    tpu.enqueue_indirect_dma source(%dma_start3A_6 : memref<507904x128xf32, #tpu.memory_space<hbm>>) target(%arg10 : memref<128x128xf32, #tpu.memory_space<vmem>>) offsets(%arg8 : memref<128xi32, #tpu.memory_space<vmem>>) semaphore(%arg12 : memref<!tpu.dma_semaphore, #tpu.memory_space<semaphore_mem>>)
    %dma_start3A_7 = arith.constant 0 : i32
    %dma_start3A_8 = arith.constant 0 : i32
    %dma_start3A_9 = tpu.memref_slice %arg3[%dma_start3A_7, %dma_start3A_8] : memref<507904x128xf32, #tpu.memory_space<hbm>> -> memref<507904x128xf32, #tpu.memory_space<hbm>>
    tpu.enqueue_indirect_dma source(%dma_start3A_9 : memref<507904x128xf32, #tpu.memory_space<hbm>>) target(%arg11 : memref<128x128xf32, #tpu.memory_space<vmem>>) offsets(%arg9 : memref<128xi32, #tpu.memory_space<vmem>>) semaphore(%arg12 : memref<!tpu.dma_semaphore, #tpu.memory_space<semaphore_mem>>)
    %dma_wait3A = arith.constant 0 : i32
    %dma_wait3A_10 = arith.constant 0 : i32
    %dma_wait3A_11 = tpu.memref_slice %arg2[%dma_wait3A, %dma_wait3A_10] : memref<507904x128xf32, #tpu.memory_space<hbm>> -> memref<507904x128xf32, #tpu.memory_space<hbm>>
    tpu.wait_indirect_dma semaphore(%arg12 : memref<!tpu.dma_semaphore, #tpu.memory_space<semaphore_mem>>) src(%dma_wait3A_11 : memref<507904x128xf32, #tpu.memory_space<hbm>>) dst(%arg10 : memref<128x128xf32, #tpu.memory_space<vmem>>)
    %dma_wait3A_12 = arith.constant 0 : i32
    %dma_wait3A_13 = arith.constant 0 : i32
    %dma_wait3A_14 = tpu.memref_slice %arg3[%dma_wait3A_12, %dma_wait3A_13] : memref<507904x128xf32, #tpu.memory_space<hbm>> -> memref<507904x128xf32, #tpu.memory_space<hbm>>
    tpu.wait_indirect_dma semaphore(%arg12 : memref<!tpu.dma_semaphore, #tpu.memory_space<semaphore_mem>>) src(%dma_wait3A_14 : memref<507904x128xf32, #tpu.memory_space<hbm>>) dst(%arg11 : memref<128x128xf32, #tpu.memory_space<vmem>>)
    "tpu.region"() ({
      %run_scoped3A = tpu.sem_alloc : memref<!tpu.dma_semaphore, #tpu.memory_space<semaphore_mem>>
      %dma_start3A_57 = arith.constant 0 : i32
      %dma_start3A_58 = tpu.memref_slice %arg6[%add3A_4, %dma_start3A_57] : memref<16384x128xf32, #tpu.memory_space<hbm>> -> memref<128x128xf32, #tpu.memory_space<hbm>>
      %dma_start3A_59 = arith.constant 0 : i32
      %dma_start3A_60 = tpu.memref_slice %arg6[%add3A_4, %dma_start3A_59] : memref<16384x128xf32, #tpu.memory_space<hbm>> -> memref<128x128xf32, #tpu.memory_space<hbm>>
      tpu.enqueue_dma source(%arg10 : memref<128x128xf32, #tpu.memory_space<vmem>>) target(%dma_start3A_60 : memref<128x128xf32, #tpu.memory_space<hbm>>) target_semaphore(%run_scoped3A : memref<!tpu.dma_semaphore, #tpu.memory_space<semaphore_mem>>)
      %dma_wait3A_61 = arith.constant 0 : i32
      %dma_wait3A_62 = tpu.memref_slice %arg6[%add3A_4, %dma_wait3A_61] : memref<16384x128xf32, #tpu.memory_space<hbm>> -> memref<128x128xf32, #tpu.memory_space<hbm>>
      %dma_wait3A_63 = arith.constant 0 : i32
      %dma_wait3A_64 = tpu.memref_slice %arg6[%add3A_4, %dma_wait3A_63] : memref<16384x128xf32, #tpu.memory_space<hbm>> -> memref<128x128xf32, #tpu.memory_space<hbm>>
      tpu.wait_dma2 semaphore(%run_scoped3A : memref<!tpu.dma_semaphore, #tpu.memory_space<semaphore_mem>>) src(%arg10 : memref<128x128xf32, #tpu.memory_space<vmem>>) dst(%dma_wait3A_64 : memref<128x128xf32, #tpu.memory_space<hbm>>)
      tpu.yield
    }) : () -> ()
    "tpu.region"() ({
      %run_scoped3A = tpu.sem_alloc : memref<!tpu.dma_semaphore, #tpu.memory_space<semaphore_mem>>
      %dma_start3A_57 = arith.constant 0 : i32
      %dma_start3A_58 = tpu.memref_slice %arg7[%add3A_4, %dma_start3A_57] : memref<16384x128xf32, #tpu.memory_space<hbm>> -> memref<128x128xf32, #tpu.memory_space<hbm>>
      %dma_start3A_59 = arith.constant 0 : i32
      %dma_start3A_60 = tpu.memref_slice %arg7[%add3A_4, %dma_start3A_59] : memref<16384x128xf32, #tpu.memory_space<hbm>> -> memref<128x128xf32, #tpu.memory_space<hbm>>
      tpu.enqueue_dma source(%arg11 : memref<128x128xf32, #tpu.memory_space<vmem>>) target(%dma_start3A_60 : memref<128x128xf32, #tpu.memory_space<hbm>>) target_semaphore(%run_scoped3A : memref<!tpu.dma_semaphore, #tpu.memory_space<semaphore_mem>>)
      %dma_wait3A_61 = arith.constant 0 : i32
      %dma_wait3A_62 = tpu.memref_slice %arg7[%add3A_4, %dma_wait3A_61] : memref<16384x128xf32, #tpu.memory_space<hbm>> -> memref<128x128xf32, #tpu.memory_space<hbm>>
      %dma_wait3A_63 = arith.constant 0 : i32
      %dma_wait3A_64 = tpu.memref_slice %arg7[%add3A_4, %dma_wait3A_63] : memref<16384x128xf32, #tpu.memory_space<hbm>> -> memref<128x128xf32, #tpu.memory_space<hbm>>
      tpu.wait_dma2 semaphore(%run_scoped3A : memref<!tpu.dma_semaphore, #tpu.memory_space<semaphore_mem>>) src(%arg11 : memref<128x128xf32, #tpu.memory_space<vmem>>) dst(%dma_wait3A_64 : memref<128x128xf32, #tpu.memory_space<hbm>>)
      tpu.yield
    }) : () -> ()
    %add3A_15 = arith.constant 128 : i32
    %add3A_16 = arith.addi %mul3A_2, %add3A_15 : i32
    "tpu.region"() ({
      %run_scoped3A = tpu.sem_alloc : memref<!tpu.dma_semaphore, #tpu.memory_space<semaphore_mem>>
      %dma_start3A_57 = tpu.memref_slice %arg4[%add3A_16] : memref<16384xi32, #tpu.memory_space<hbm>> -> memref<128xi32, #tpu.memory_space<hbm>>
      %dma_start3A_58 = tpu.memref_slice %arg4[%add3A_16] : memref<16384xi32, #tpu.memory_space<hbm>> -> memref<128xi32, #tpu.memory_space<hbm>>
      tpu.enqueue_dma source(%dma_start3A_58 : memref<128xi32, #tpu.memory_space<hbm>>) target(%arg8 : memref<128xi32, #tpu.memory_space<vmem>>) target_semaphore(%run_scoped3A : memref<!tpu.dma_semaphore, #tpu.memory_space<semaphore_mem>>)
      %dma_wait3A_59 = tpu.memref_slice %arg4[%add3A_16] : memref<16384xi32, #tpu.memory_space<hbm>> -> memref<128xi32, #tpu.memory_space<hbm>>
      %dma_wait3A_60 = tpu.memref_slice %arg4[%add3A_16] : memref<16384xi32, #tpu.memory_space<hbm>> -> memref<128xi32, #tpu.memory_space<hbm>>
      tpu.wait_dma2 semaphore(%run_scoped3A : memref<!tpu.dma_semaphore, #tpu.memory_space<semaphore_mem>>) src(%dma_wait3A_60 : memref<128xi32, #tpu.memory_space<hbm>>) dst(%arg8 : memref<128xi32, #tpu.memory_space<vmem>>)
      tpu.yield
    }) : () -> ()
    "tpu.region"() ({
      %run_scoped3A = tpu.sem_alloc : memref<!tpu.dma_semaphore, #tpu.memory_space<semaphore_mem>>
      %dma_start3A_57 = tpu.memref_slice %arg5[%add3A_16] : memref<16384xi32, #tpu.memory_space<hbm>> -> memref<128xi32, #tpu.memory_space<hbm>>
      %dma_start3A_58 = tpu.memref_slice %arg5[%add3A_16] : memref<16384xi32, #tpu.memory_space<hbm>> -> memref<128xi32, #tpu.memory_space<hbm>>
      tpu.enqueue_dma source(%dma_start3A_58 : memref<128xi32, #tpu.memory_space<hbm>>) target(%arg9 : memref<128xi32, #tpu.memory_space<vmem>>) target_semaphore(%run_scoped3A : memref<!tpu.dma_semaphore, #tpu.memory_space<semaphore_mem>>)
      %dma_wait3A_59 = tpu.memref_slice %arg5[%add3A_16] : memref<16384xi32, #tpu.memory_space<hbm>> -> memref<128xi32, #tpu.memory_space<hbm>>
      %dma_wait3A_60 = tpu.memref_slice %arg5[%add3A_16] : memref<16384xi32, #tpu.memory_space<hbm>> -> memref<128xi32, #tpu.memory_space<hbm>>
      tpu.wait_dma2 semaphore(%run_scoped3A : memref<!tpu.dma_semaphore, #tpu.memory_space<semaphore_mem>>) src(%dma_wait3A_60 : memref<128xi32, #tpu.memory_space<hbm>>) dst(%arg9 : memref<128xi32, #tpu.memory_space<vmem>>)
      tpu.yield
    }) : () -> ()
    %dma_start3A_17 = arith.constant 0 : i32
    %dma_start3A_18 = arith.constant 0 : i32
    %dma_start3A_19 = tpu.memref_slice %arg2[%dma_start3A_17, %dma_start3A_18] : memref<507904x128xf32, #tpu.memory_space<hbm>> -> memref<507904x128xf32, #tpu.memory_space<hbm>>
    tpu.enqueue_indirect_dma source(%dma_start3A_19 : memref<507904x128xf32, #tpu.memory_space<hbm>>) target(%arg10 : memref<128x128xf32, #tpu.memory_space<vmem>>) offsets(%arg8 : memref<128xi32, #tpu.memory_space<vmem>>) semaphore(%arg12 : memref<!tpu.dma_semaphore, #tpu.memory_space<semaphore_mem>>)
    %dma_start3A_20 = arith.constant 0 : i32
    %dma_start3A_21 = arith.constant 0 : i32
    %dma_start3A_22 = tpu.memref_slice %arg3[%dma_start3A_20, %dma_start3A_21] : memref<507904x128xf32, #tpu.memory_space<hbm>> -> memref<507904x128xf32, #tpu.memory_space<hbm>>
    tpu.enqueue_indirect_dma source(%dma_start3A_22 : memref<507904x128xf32, #tpu.memory_space<hbm>>) target(%arg11 : memref<128x128xf32, #tpu.memory_space<vmem>>) offsets(%arg9 : memref<128xi32, #tpu.memory_space<vmem>>) semaphore(%arg12 : memref<!tpu.dma_semaphore, #tpu.memory_space<semaphore_mem>>)
    %dma_wait3A_23 = arith.constant 0 : i32
    %dma_wait3A_24 = arith.constant 0 : i32
    %dma_wait3A_25 = tpu.memref_slice %arg2[%dma_wait3A_23, %dma_wait3A_24] : memref<507904x128xf32, #tpu.memory_space<hbm>> -> memref<507904x128xf32, #tpu.memory_space<hbm>>
    tpu.wait_indirect_dma semaphore(%arg12 : memref<!tpu.dma_semaphore, #tpu.memory_space<semaphore_mem>>) src(%dma_wait3A_25 : memref<507904x128xf32, #tpu.memory_space<hbm>>) dst(%arg10 : memref<128x128xf32, #tpu.memory_space<vmem>>)
    %dma_wait3A_26 = arith.constant 0 : i32
    %dma_wait3A_27 = arith.constant 0 : i32
    %dma_wait3A_28 = tpu.memref_slice %arg3[%dma_wait3A_26, %dma_wait3A_27] : memref<507904x128xf32, #tpu.memory_space<hbm>> -> memref<507904x128xf32, #tpu.memory_space<hbm>>
    tpu.wait_indirect_dma semaphore(%arg12 : memref<!tpu.dma_semaphore, #tpu.memory_space<semaphore_mem>>) src(%dma_wait3A_28 : memref<507904x128xf32, #tpu.memory_space<hbm>>) dst(%arg11 : memref<128x128xf32, #tpu.memory_space<vmem>>)
    "tpu.region"() ({
      %run_scoped3A = tpu.sem_alloc : memref<!tpu.dma_semaphore, #tpu.memory_space<semaphore_mem>>
      %dma_start3A_57 = arith.constant 0 : i32
      %dma_start3A_58 = tpu.memref_slice %arg6[%add3A_16, %dma_start3A_57] : memref<16384x128xf32, #tpu.memory_space<hbm>> -> memref<128x128xf32, #tpu.memory_space<hbm>>
      %dma_start3A_59 = arith.constant 0 : i32
      %dma_start3A_60 = tpu.memref_slice %arg6[%add3A_16, %dma_start3A_59] : memref<16384x128xf32, #tpu.memory_space<hbm>> -> memref<128x128xf32, #tpu.memory_space<hbm>>
      tpu.enqueue_dma source(%arg10 : memref<128x128xf32, #tpu.memory_space<vmem>>) target(%dma_start3A_60 : memref<128x128xf32, #tpu.memory_space<hbm>>) target_semaphore(%run_scoped3A : memref<!tpu.dma_semaphore, #tpu.memory_space<semaphore_mem>>)
      %dma_wait3A_61 = arith.constant 0 : i32
      %dma_wait3A_62 = tpu.memref_slice %arg6[%add3A_16, %dma_wait3A_61] : memref<16384x128xf32, #tpu.memory_space<hbm>> -> memref<128x128xf32, #tpu.memory_space<hbm>>
      %dma_wait3A_63 = arith.constant 0 : i32
      %dma_wait3A_64 = tpu.memref_slice %arg6[%add3A_16, %dma_wait3A_63] : memref<16384x128xf32, #tpu.memory_space<hbm>> -> memref<128x128xf32, #tpu.memory_space<hbm>>
      tpu.wait_dma2 semaphore(%run_scoped3A : memref<!tpu.dma_semaphore, #tpu.memory_space<semaphore_mem>>) src(%arg10 : memref<128x128xf32, #tpu.memory_space<vmem>>) dst(%dma_wait3A_64 : memref<128x128xf32, #tpu.memory_space<hbm>>)
      tpu.yield
    }) : () -> ()
    "tpu.region"() ({
      %run_scoped3A = tpu.sem_alloc : memref<!tpu.dma_semaphore, #tpu.memory_space<semaphore_mem>>
      %dma_start3A_57 = arith.constant 0 : i32
      %dma_start3A_58 = tpu.memref_slice %arg7[%add3A_16, %dma_start3A_57] : memref<16384x128xf32, #tpu.memory_space<hbm>> -> memref<128x128xf32, #tpu.memory_space<hbm>>
      %dma_start3A_59 = arith.constant 0 : i32
      %dma_start3A_60 = tpu.memref_slice %arg7[%add3A_16, %dma_start3A_59] : memref<16384x128xf32, #tpu.memory_space<hbm>> -> memref<128x128xf32, #tpu.memory_space<hbm>>
      tpu.enqueue_dma source(%arg11 : memref<128x128xf32, #tpu.memory_space<vmem>>) target(%dma_start3A_60 : memref<128x128xf32, #tpu.memory_space<hbm>>) target_semaphore(%run_scoped3A : memref<!tpu.dma_semaphore, #tpu.memory_space<semaphore_mem>>)
      %dma_wait3A_61 = arith.constant 0 : i32
      %dma_wait3A_62 = tpu.memref_slice %arg7[%add3A_16, %dma_wait3A_61] : memref<16384x128xf32, #tpu.memory_space<hbm>> -> memref<128x128xf32, #tpu.memory_space<hbm>>
      %dma_wait3A_63 = arith.constant 0 : i32
      %dma_wait3A_64 = tpu.memref_slice %arg7[%add3A_16, %dma_wait3A_63] : memref<16384x128xf32, #tpu.memory_space<hbm>> -> memref<128x128xf32, #tpu.memory_space<hbm>>
      tpu.wait_dma2 semaphore(%run_scoped3A : memref<!tpu.dma_semaphore, #tpu.memory_space<semaphore_mem>>) src(%arg11 : memref<128x128xf32, #tpu.memory_space<vmem>>) dst(%dma_wait3A_64 : memref<128x128xf32, #tpu.memory_space<hbm>>)
      tpu.yield
    }) : () -> ()
    %add3A_29 = arith.constant 256 : i32
    %add3A_30 = arith.addi %mul3A_2, %add3A_29 : i32
    "tpu.region"() ({
      %run_scoped3A = tpu.sem_alloc : memref<!tpu.dma_semaphore, #tpu.memory_space<semaphore_mem>>
      %dma_start3A_57 = tpu.memref_slice %arg4[%add3A_30] : memref<16384xi32, #tpu.memory_space<hbm>> -> memref<128xi32, #tpu.memory_space<hbm>>
      %dma_start3A_58 = tpu.memref_slice %arg4[%add3A_30] : memref<16384xi32, #tpu.memory_space<hbm>> -> memref<128xi32, #tpu.memory_space<hbm>>
      tpu.enqueue_dma source(%dma_start3A_58 : memref<128xi32, #tpu.memory_space<hbm>>) target(%arg8 : memref<128xi32, #tpu.memory_space<vmem>>) target_semaphore(%run_scoped3A : memref<!tpu.dma_semaphore, #tpu.memory_space<semaphore_mem>>)
      %dma_wait3A_59 = tpu.memref_slice %arg4[%add3A_30] : memref<16384xi32, #tpu.memory_space<hbm>> -> memref<128xi32, #tpu.memory_space<hbm>>
      %dma_wait3A_60 = tpu.memref_slice %arg4[%add3A_30] : memref<16384xi32, #tpu.memory_space<hbm>> -> memref<128xi32, #tpu.memory_space<hbm>>
      tpu.wait_dma2 semaphore(%run_scoped3A : memref<!tpu.dma_semaphore, #tpu.memory_space<semaphore_mem>>) src(%dma_wait3A_60 : memref<128xi32, #tpu.memory_space<hbm>>) dst(%arg8 : memref<128xi32, #tpu.memory_space<vmem>>)
      tpu.yield
    }) : () -> ()
    "tpu.region"() ({
      %run_scoped3A = tpu.sem_alloc : memref<!tpu.dma_semaphore, #tpu.memory_space<semaphore_mem>>
      %dma_start3A_57 = tpu.memref_slice %arg5[%add3A_30] : memref<16384xi32, #tpu.memory_space<hbm>> -> memref<128xi32, #tpu.memory_space<hbm>>
      %dma_start3A_58 = tpu.memref_slice %arg5[%add3A_30] : memref<16384xi32, #tpu.memory_space<hbm>> -> memref<128xi32, #tpu.memory_space<hbm>>
      tpu.enqueue_dma source(%dma_start3A_58 : memref<128xi32, #tpu.memory_space<hbm>>) target(%arg9 : memref<128xi32, #tpu.memory_space<vmem>>) target_semaphore(%run_scoped3A : memref<!tpu.dma_semaphore, #tpu.memory_space<semaphore_mem>>)
      %dma_wait3A_59 = tpu.memref_slice %arg5[%add3A_30] : memref<16384xi32, #tpu.memory_space<hbm>> -> memref<128xi32, #tpu.memory_space<hbm>>
      %dma_wait3A_60 = tpu.memref_slice %arg5[%add3A_30] : memref<16384xi32, #tpu.memory_space<hbm>> -> memref<128xi32, #tpu.memory_space<hbm>>
      tpu.wait_dma2 semaphore(%run_scoped3A : memref<!tpu.dma_semaphore, #tpu.memory_space<semaphore_mem>>) src(%dma_wait3A_60 : memref<128xi32, #tpu.memory_space<hbm>>) dst(%arg9 : memref<128xi32, #tpu.memory_space<vmem>>)
      tpu.yield
    }) : () -> ()
    %dma_start3A_31 = arith.constant 0 : i32
    %dma_start3A_32 = arith.constant 0 : i32
    %dma_start3A_33 = tpu.memref_slice %arg2[%dma_start3A_31, %dma_start3A_32] : memref<507904x128xf32, #tpu.memory_space<hbm>> -> memref<507904x128xf32, #tpu.memory_space<hbm>>
    tpu.enqueue_indirect_dma source(%dma_start3A_33 : memref<507904x128xf32, #tpu.memory_space<hbm>>) target(%arg10 : memref<128x128xf32, #tpu.memory_space<vmem>>) offsets(%arg8 : memref<128xi32, #tpu.memory_space<vmem>>) semaphore(%arg12 : memref<!tpu.dma_semaphore, #tpu.memory_space<semaphore_mem>>)
    %dma_start3A_34 = arith.constant 0 : i32
    %dma_start3A_35 = arith.constant 0 : i32
    %dma_start3A_36 = tpu.memref_slice %arg3[%dma_start3A_34, %dma_start3A_35] : memref<507904x128xf32, #tpu.memory_space<hbm>> -> memref<507904x128xf32, #tpu.memory_space<hbm>>
    tpu.enqueue_indirect_dma source(%dma_start3A_36 : memref<507904x128xf32, #tpu.memory_space<hbm>>) target(%arg11 : memref<128x128xf32, #tpu.memory_space<vmem>>) offsets(%arg9 : memref<128xi32, #tpu.memory_space<vmem>>) semaphore(%arg12 : memref<!tpu.dma_semaphore, #tpu.memory_space<semaphore_mem>>)
    %dma_wait3A_37 = arith.constant 0 : i32
    %dma_wait3A_38 = arith.constant 0 : i32
    %dma_wait3A_39 = tpu.memref_slice %arg2[%dma_wait3A_37, %dma_wait3A_38] : memref<507904x128xf32, #tpu.memory_space<hbm>> -> memref<507904x128xf32, #tpu.memory_space<hbm>>
    tpu.wait_indirect_dma semaphore(%arg12 : memref<!tpu.dma_semaphore, #tpu.memory_space<semaphore_mem>>) src(%dma_wait3A_39 : memref<507904x128xf32, #tpu.memory_space<hbm>>) dst(%arg10 : memref<128x128xf32, #tpu.memory_space<vmem>>)
    %dma_wait3A_40 = arith.constant 0 : i32
    %dma_wait3A_41 = arith.constant 0 : i32
    %dma_wait3A_42 = tpu.memref_slice %arg3[%dma_wait3A_40, %dma_wait3A_41] : memref<507904x128xf32, #tpu.memory_space<hbm>> -> memref<507904x128xf32, #tpu.memory_space<hbm>>
    tpu.wait_indirect_dma semaphore(%arg12 : memref<!tpu.dma_semaphore, #tpu.memory_space<semaphore_mem>>) src(%dma_wait3A_42 : memref<507904x128xf32, #tpu.memory_space<hbm>>) dst(%arg11 : memref<128x128xf32, #tpu.memory_space<vmem>>)
    "tpu.region"() ({
      %run_scoped3A = tpu.sem_alloc : memref<!tpu.dma_semaphore, #tpu.memory_space<semaphore_mem>>
      %dma_start3A_57 = arith.constant 0 : i32
      %dma_start3A_58 = tpu.memref_slice %arg6[%add3A_30, %dma_start3A_57] : memref<16384x128xf32, #tpu.memory_space<hbm>> -> memref<128x128xf32, #tpu.memory_space<hbm>>
      %dma_start3A_59 = arith.constant 0 : i32
      %dma_start3A_60 = tpu.memref_slice %arg6[%add3A_30, %dma_start3A_59] : memref<16384x128xf32, #tpu.memory_space<hbm>> -> memref<128x128xf32, #tpu.memory_space<hbm>>
      tpu.enqueue_dma source(%arg10 : memref<128x128xf32, #tpu.memory_space<vmem>>) target(%dma_start3A_60 : memref<128x128xf32, #tpu.memory_space<hbm>>) target_semaphore(%run_scoped3A : memref<!tpu.dma_semaphore, #tpu.memory_space<semaphore_mem>>)
      %dma_wait3A_61 = arith.constant 0 : i32
      %dma_wait3A_62 = tpu.memref_slice %arg6[%add3A_30, %dma_wait3A_61] : memref<16384x128xf32, #tpu.memory_space<hbm>> -> memref<128x128xf32, #tpu.memory_space<hbm>>
      %dma_wait3A_63 = arith.constant 0 : i32
      %dma_wait3A_64 = tpu.memref_slice %arg6[%add3A_30, %dma_wait3A_63] : memref<16384x128xf32, #tpu.memory_space<hbm>> -> memref<128x128xf32, #tpu.memory_space<hbm>>
      tpu.wait_dma2 semaphore(%run_scoped3A : memref<!tpu.dma_semaphore, #tpu.memory_space<semaphore_mem>>) src(%arg10 : memref<128x128xf32, #tpu.memory_space<vmem>>) dst(%dma_wait3A_64 : memref<128x128xf32, #tpu.memory_space<hbm>>)
      tpu.yield
    }) : () -> ()
    "tpu.region"() ({
      %run_scoped3A = tpu.sem_alloc : memref<!tpu.dma_semaphore, #tpu.memory_space<semaphore_mem>>
      %dma_start3A_57 = arith.constant 0 : i32
      %dma_start3A_58 = tpu.memref_slice %arg7[%add3A_30, %dma_start3A_57] : memref<16384x128xf32, #tpu.memory_space<hbm>> -> memref<128x128xf32, #tpu.memory_space<hbm>>
      %dma_start3A_59 = arith.constant 0 : i32
      %dma_start3A_60 = tpu.memref_slice %arg7[%add3A_30, %dma_start3A_59] : memref<16384x128xf32, #tpu.memory_space<hbm>> -> memref<128x128xf32, #tpu.memory_space<hbm>>
      tpu.enqueue_dma source(%arg11 : memref<128x128xf32, #tpu.memory_space<vmem>>) target(%dma_start3A_60 : memref<128x128xf32, #tpu.memory_space<hbm>>) target_semaphore(%run_scoped3A : memref<!tpu.dma_semaphore, #tpu.memory_space<semaphore_mem>>)
      %dma_wait3A_61 = arith.constant 0 : i32
      %dma_wait3A_62 = tpu.memref_slice %arg7[%add3A_30, %dma_wait3A_61] : memref<16384x128xf32, #tpu.memory_space<hbm>> -> memref<128x128xf32, #tpu.memory_space<hbm>>
      %dma_wait3A_63 = arith.constant 0 : i32
      %dma_wait3A_64 = tpu.memref_slice %arg7[%add3A_30, %dma_wait3A_63] : memref<16384x128xf32, #tpu.memory_space<hbm>> -> memref<128x128xf32, #tpu.memory_space<hbm>>
      tpu.wait_dma2 semaphore(%run_scoped3A : memref<!tpu.dma_semaphore, #tpu.memory_space<semaphore_mem>>) src(%arg11 : memref<128x128xf32, #tpu.memory_space<vmem>>) dst(%dma_wait3A_64 : memref<128x128xf32, #tpu.memory_space<hbm>>)
      tpu.yield
    }) : () -> ()
    %add3A_43 = arith.constant 384 : i32
    %add3A_44 = arith.addi %mul3A_2, %add3A_43 : i32
    "tpu.region"() ({
      %run_scoped3A = tpu.sem_alloc : memref<!tpu.dma_semaphore, #tpu.memory_space<semaphore_mem>>
      %dma_start3A_57 = tpu.memref_slice %arg4[%add3A_44] : memref<16384xi32, #tpu.memory_space<hbm>> -> memref<128xi32, #tpu.memory_space<hbm>>
      %dma_start3A_58 = tpu.memref_slice %arg4[%add3A_44] : memref<16384xi32, #tpu.memory_space<hbm>> -> memref<128xi32, #tpu.memory_space<hbm>>
      tpu.enqueue_dma source(%dma_start3A_58 : memref<128xi32, #tpu.memory_space<hbm>>) target(%arg8 : memref<128xi32, #tpu.memory_space<vmem>>) target_semaphore(%run_scoped3A : memref<!tpu.dma_semaphore, #tpu.memory_space<semaphore_mem>>)
      %dma_wait3A_59 = tpu.memref_slice %arg4[%add3A_44] : memref<16384xi32, #tpu.memory_space<hbm>> -> memref<128xi32, #tpu.memory_space<hbm>>
      %dma_wait3A_60 = tpu.memref_slice %arg4[%add3A_44] : memref<16384xi32, #tpu.memory_space<hbm>> -> memref<128xi32, #tpu.memory_space<hbm>>
      tpu.wait_dma2 semaphore(%run_scoped3A : memref<!tpu.dma_semaphore, #tpu.memory_space<semaphore_mem>>) src(%dma_wait3A_60 : memref<128xi32, #tpu.memory_space<hbm>>) dst(%arg8 : memref<128xi32, #tpu.memory_space<vmem>>)
      tpu.yield
    }) : () -> ()
    "tpu.region"() ({
      %run_scoped3A = tpu.sem_alloc : memref<!tpu.dma_semaphore, #tpu.memory_space<semaphore_mem>>
      %dma_start3A_57 = tpu.memref_slice %arg5[%add3A_44] : memref<16384xi32, #tpu.memory_space<hbm>> -> memref<128xi32, #tpu.memory_space<hbm>>
      %dma_start3A_58 = tpu.memref_slice %arg5[%add3A_44] : memref<16384xi32, #tpu.memory_space<hbm>> -> memref<128xi32, #tpu.memory_space<hbm>>
      tpu.enqueue_dma source(%dma_start3A_58 : memref<128xi32, #tpu.memory_space<hbm>>) target(%arg9 : memref<128xi32, #tpu.memory_space<vmem>>) target_semaphore(%run_scoped3A : memref<!tpu.dma_semaphore, #tpu.memory_space<semaphore_mem>>)
      %dma_wait3A_59 = tpu.memref_slice %arg5[%add3A_44] : memref<16384xi32, #tpu.memory_space<hbm>> -> memref<128xi32, #tpu.memory_space<hbm>>
      %dma_wait3A_60 = tpu.memref_slice %arg5[%add3A_44] : memref<16384xi32, #tpu.memory_space<hbm>> -> memref<128xi32, #tpu.memory_space<hbm>>
      tpu.wait_dma2 semaphore(%run_scoped3A : memref<!tpu.dma_semaphore, #tpu.memory_space<semaphore_mem>>) src(%dma_wait3A_60 : memref<128xi32, #tpu.memory_space<hbm>>) dst(%arg9 : memref<128xi32, #tpu.memory_space<vmem>>)
      tpu.yield
    }) : () -> ()
    %dma_start3A_45 = arith.constant 0 : i32
    %dma_start3A_46 = arith.constant 0 : i32
    %dma_start3A_47 = tpu.memref_slice %arg2[%dma_start3A_45, %dma_start3A_46] : memref<507904x128xf32, #tpu.memory_space<hbm>> -> memref<507904x128xf32, #tpu.memory_space<hbm>>
    tpu.enqueue_indirect_dma source(%dma_start3A_47 : memref<507904x128xf32, #tpu.memory_space<hbm>>) target(%arg10 : memref<128x128xf32, #tpu.memory_space<vmem>>) offsets(%arg8 : memref<128xi32, #tpu.memory_space<vmem>>) semaphore(%arg12 : memref<!tpu.dma_semaphore, #tpu.memory_space<semaphore_mem>>)
    %dma_start3A_48 = arith.constant 0 : i32
    %dma_start3A_49 = arith.constant 0 : i32
    %dma_start3A_50 = tpu.memref_slice %arg3[%dma_start3A_48, %dma_start3A_49] : memref<507904x128xf32, #tpu.memory_space<hbm>> -> memref<507904x128xf32, #tpu.memory_space<hbm>>
    tpu.enqueue_indirect_dma source(%dma_start3A_50 : memref<507904x128xf32, #tpu.memory_space<hbm>>) target(%arg11 : memref<128x128xf32, #tpu.memory_space<vmem>>) offsets(%arg9 : memref<128xi32, #tpu.memory_space<vmem>>) semaphore(%arg12 : memref<!tpu.dma_semaphore, #tpu.memory_space<semaphore_mem>>)
    %dma_wait3A_51 = arith.constant 0 : i32
    %dma_wait3A_52 = arith.constant 0 : i32
    %dma_wait3A_53 = tpu.memref_slice %arg2[%dma_wait3A_51, %dma_wait3A_52] : memref<507904x128xf32, #tpu.memory_space<hbm>> -> memref<507904x128xf32, #tpu.memory_space<hbm>>
    tpu.wait_indirect_dma semaphore(%arg12 : memref<!tpu.dma_semaphore, #tpu.memory_space<semaphore_mem>>) src(%dma_wait3A_53 : memref<507904x128xf32, #tpu.memory_space<hbm>>) dst(%arg10 : memref<128x128xf32, #tpu.memory_space<vmem>>)
    %dma_wait3A_54 = arith.constant 0 : i32
    %dma_wait3A_55 = arith.constant 0 : i32
    %dma_wait3A_56 = tpu.memref_slice %arg3[%dma_wait3A_54, %dma_wait3A_55] : memref<507904x128xf32, #tpu.memory_space<hbm>> -> memref<507904x128xf32, #tpu.memory_space<hbm>>
    tpu.wait_indirect_dma semaphore(%arg12 : memref<!tpu.dma_semaphore, #tpu.memory_space<semaphore_mem>>) src(%dma_wait3A_56 : memref<507904x128xf32, #tpu.memory_space<hbm>>) dst(%arg11 : memref<128x128xf32, #tpu.memory_space<vmem>>)
    "tpu.region"() ({
      %run_scoped3A = tpu.sem_alloc : memref<!tpu.dma_semaphore, #tpu.memory_space<semaphore_mem>>
      %dma_start3A_57 = arith.constant 0 : i32
      %dma_start3A_58 = tpu.memref_slice %arg6[%add3A_44, %dma_start3A_57] : memref<16384x128xf32, #tpu.memory_space<hbm>> -> memref<128x128xf32, #tpu.memory_space<hbm>>
      %dma_start3A_59 = arith.constant 0 : i32
      %dma_start3A_60 = tpu.memref_slice %arg6[%add3A_44, %dma_start3A_59] : memref<16384x128xf32, #tpu.memory_space<hbm>> -> memref<128x128xf32, #tpu.memory_space<hbm>>
      tpu.enqueue_dma source(%arg10 : memref<128x128xf32, #tpu.memory_space<vmem>>) target(%dma_start3A_60 : memref<128x128xf32, #tpu.memory_space<hbm>>) target_semaphore(%run_scoped3A : memref<!tpu.dma_semaphore, #tpu.memory_space<semaphore_mem>>)
      %dma_wait3A_61 = arith.constant 0 : i32
      %dma_wait3A_62 = tpu.memref_slice %arg6[%add3A_44, %dma_wait3A_61] : memref<16384x128xf32, #tpu.memory_space<hbm>> -> memref<128x128xf32, #tpu.memory_space<hbm>>
      %dma_wait3A_63 = arith.constant 0 : i32
      %dma_wait3A_64 = tpu.memref_slice %arg6[%add3A_44, %dma_wait3A_63] : memref<16384x128xf32, #tpu.memory_space<hbm>> -> memref<128x128xf32, #tpu.memory_space<hbm>>
      tpu.wait_dma2 semaphore(%run_scoped3A : memref<!tpu.dma_semaphore, #tpu.memory_space<semaphore_mem>>) src(%arg10 : memref<128x128xf32, #tpu.memory_space<vmem>>) dst(%dma_wait3A_64 : memref<128x128xf32, #tpu.memory_space<hbm>>)
      tpu.yield
    }) : () -> ()
    "tpu.region"() ({
      %run_scoped3A = tpu.sem_alloc : memref<!tpu.dma_semaphore, #tpu.memory_space<semaphore_mem>>
      %dma_start3A_57 = arith.constant 0 : i32
      %dma_start3A_58 = tpu.memref_slice %arg7[%add3A_44, %dma_start3A_57] : memref<16384x128xf32, #tpu.memory_space<hbm>> -> memref<128x128xf32, #tpu.memory_space<hbm>>
      %dma_start3A_59 = arith.constant 0 : i32
      %dma_start3A_60 = tpu.memref_slice %arg7[%add3A_44, %dma_start3A_59] : memref<16384x128xf32, #tpu.memory_space<hbm>> -> memref<128x128xf32, #tpu.memory_space<hbm>>
      tpu.enqueue_dma source(%arg11 : memref<128x128xf32, #tpu.memory_space<vmem>>) target(%dma_start3A_60 : memref<128x128xf32, #tpu.memory_space<hbm>>) target_semaphore(%run_scoped3A : memref<!tpu.dma_semaphore, #tpu.memory_space<semaphore_mem>>)
      %dma_wait3A_61 = arith.constant 0 : i32
      %dma_wait3A_62 = tpu.memref_slice %arg7[%add3A_44, %dma_wait3A_61] : memref<16384x128xf32, #tpu.memory_space<hbm>> -> memref<128x128xf32, #tpu.memory_space<hbm>>
      %dma_wait3A_63 = arith.constant 0 : i32
      %dma_wait3A_64 = tpu.memref_slice %arg7[%add3A_44, %dma_wait3A_63] : memref<16384x128xf32, #tpu.memory_space<hbm>> -> memref<128x128xf32, #tpu.memory_space<hbm>>
      tpu.wait_dma2 semaphore(%run_scoped3A : memref<!tpu.dma_semaphore, #tpu.memory_space<semaphore_mem>>) src(%arg11 : memref<128x128xf32, #tpu.memory_space<vmem>>) dst(%dma_wait3A_64 : memref<128x128xf32, #tpu.memory_space<hbm>>)
      tpu.yield
    }) : () -> ()
    return
  }
}

module attributes {stable_mosaic.version = 14 : i64} {
  func.func @_repack_body(%arg0: i32, %arg1: memref<64x8192xf32, #tpu.memory_space<vmem>>, %arg2: memref<64x8192xf32, #tpu.memory_space<vmem>>, %arg3: memref<8192x128xf32, #tpu.memory_space<vmem>>) attributes {dimension_semantics = [#tpu.dimension_semantics<arbitrary>], iteration_bounds = array<i64: 62>, scalar_prefetch = 0 : i64, scratch_operands = 0 : i64, tpu.core_type = #tpu.core_type<tc>, window_params = [{transform_indices = @transform_0, window_bounds = array<i64: 64, 8192>}, {transform_indices = @transform_1, window_bounds = array<i64: 64, 8192>}, {transform_indices = @transform_2, window_bounds = array<i64: 8192, 128>}]} {
    %get3A = arith.constant 0 : index
    %get3A_0 = arith.constant 0 : index
    %get3A_1 = vector.load %arg1[%get3A, %get3A_0] : memref<64x8192xf32, #tpu.memory_space<vmem>>, vector<64x8192xf32>
    %transpose3A = tpu.transpose %get3A_1, [1, 0] : vector<64x8192xf32> -> vector<8192x64xf32>
    %get3A_2 = arith.constant 0 : index
    %get3A_3 = arith.constant 0 : index
    %get3A_4 = vector.load %arg2[%get3A_2, %get3A_3] : memref<64x8192xf32, #tpu.memory_space<vmem>>, vector<64x8192xf32>
    %transpose3A_5 = tpu.transpose %get3A_4, [1, 0] : vector<64x8192xf32> -> vector<8192x64xf32>
    %concatenate3A = tpu.concatenate %transpose3A, %transpose3A_5 in 1 : vector<8192x64xf32>, vector<8192x64xf32> -> vector<8192x128xf32>
    %swap3A = arith.constant 0 : index
    %swap3A_6 = arith.constant 0 : index
    %swap3A_7 = vector.load %arg3[%swap3A, %swap3A_6] : memref<8192x128xf32, #tpu.memory_space<vmem>>, vector<8192x128xf32>
    tpu.vector_store %arg3[%swap3A, %swap3A_6], %concatenate3A {strides = array<i32>} : memref<8192x128xf32, #tpu.memory_space<vmem>>, vector<8192x128xf32>,
    return
  }
  func.func @transform_0(%arg0: i32) -> (i32, i32) {
    %mul3A = arith.constant 2 : i32
    %mul3A_0 = arith.muli %mul3A, %arg0 : i32
    %c0_i32 = arith.constant 0 : i32
    %c0_i32_1 = arith.constant 0 : i32
    return %c0_i32, %mul3A_0 : i32, i32
  }
  func.func @transform_1(%arg0: i32) -> (i32, i32) {
    %mul3A = arith.constant 2 : i32
    %mul3A_0 = arith.muli %mul3A, %arg0 : i32
    %add3A = arith.constant 1 : i32
    %add3A_1 = arith.addi %mul3A_0, %add3A : i32
    %min3A = arith.constant 122 : i32
    %min3A_2 = arith.minsi %add3A_1, %min3A : i32
    %c0_i32 = arith.constant 0 : i32
    %c0_i32_3 = arith.constant 0 : i32
    return %c0_i32, %min3A_2 : i32, i32
  }
  func.func @transform_2(%arg0: i32) -> (i32, i32) {
    %c0_i32 = arith.constant 0 : i32
    %c0_i32_0 = arith.constant 0 : i32
    return %arg0, %c0_i32 : i32, i32
  }
}

module attributes {stable_mosaic.version = 14 : i64} {
  func.func @_tc_body(%arg0: i32, %arg1: memref<64x1024xf32, #tpu.memory_space<vmem>>, %arg2: memref<1024x128xf32, #tpu.memory_space<vmem>>, %arg3: memref<1024xi32, #tpu.memory_space<vmem>>, %arg4: memref<1024xi32, #tpu.memory_space<vmem>>, %arg5: memref<1024xi32, #tpu.memory_space<vmem>>, %arg6: memref<64x1024xf32, #tpu.memory_space<vmem>>, %arg7: memref<1024x128xf32, #tpu.memory_space<vmem>>, %arg8: memref<1024xi32, #tpu.memory_space<vmem>>, %arg9: memref<32x64xf32, #tpu.memory_space<vmem>>, %arg10: memref<32x64xf32, #tpu.memory_space<vmem>>, %arg11: memref<64x128xf32, #tpu.memory_space<vmem>>, %arg12: memref<64x128xf32, #tpu.memory_space<vmem>>, %arg13: memref<64x128xf32, #tpu.memory_space<vmem>>, %arg14: memref<64x128xf32, #tpu.memory_space<vmem>>, %arg15: memref<1x128xf32, #tpu.memory_space<vmem>>, %arg16: memref<1x128xf32, #tpu.memory_space<vmem>>, %arg17: memref<1x128xf32, #tpu.memory_space<vmem>>, %arg18: memref<128x64xf32, #tpu.memory_space<vmem>>, %arg19: memref<1x64xf32, #tpu.memory_space<vmem>>, %arg20: memref<1x64xf32, #tpu.memory_space<vmem>>, %arg21: memref<1x64xf32, #tpu.memory_space<vmem>>, %arg22: memref<64x64xf32, #tpu.memory_space<vmem>>, %arg23: memref<1x64xf32, #tpu.memory_space<vmem>>, %arg24: memref<64x128xf32, #tpu.memory_space<vmem>>, %arg25: memref<64x128xf32, #tpu.memory_space<vmem>>, %arg26: memref<1x128xf32, #tpu.memory_space<vmem>>, %arg27: memref<1x128xf32, #tpu.memory_space<vmem>>, %arg28: memref<1x128xf32, #tpu.memory_space<vmem>>, %arg29: memref<128x64xf32, #tpu.memory_space<vmem>>, %arg30: memref<1x64xf32, #tpu.memory_space<vmem>>, %arg31: memref<1x64xf32, #tpu.memory_space<vmem>>, %arg32: memref<1x64xf32, #tpu.memory_space<vmem>>, %arg33: memref<64x64xf32, #tpu.memory_space<vmem>>, %arg34: memref<1x64xf32, #tpu.memory_space<vmem>>, %arg35: memref<1x64xf32, #tpu.memory_space<vmem>>, %arg36: memref<1x64xf32, #tpu.memory_space<vmem>>, %arg37: memref<1024x1xf32, #tpu.memory_space<vmem>>) attributes {dimension_semantics = [#tpu.dimension_semantics<arbitrary>], iteration_bounds = array<i64: 16>, scalar_prefetch = 0 : i64, scratch_operands = 0 : i64, tpu.core_type = #tpu.core_type<tc>, window_params = [{transform_indices = @transform_0, window_bounds = array<i64: 64, 1024>}, {transform_indices = @transform_1, window_bounds = array<i64: 1024, 128>}, {transform_indices = @transform_2, window_bounds = array<i64: 1024>}, {transform_indices = @transform_3, window_bounds = array<i64: 1024>}, {transform_indices = @transform_4, window_bounds = array<i64: 1024>}, {transform_indices = @transform_5, window_bounds = array<i64: 64, 1024>}, {transform_indices = @transform_6, window_bounds = array<i64: 1024, 128>}, {transform_indices = @transform_7, window_bounds = array<i64: 1024>}, {pipeline_mode = #tpu.pipeline_mode<synchronous>, transform_indices = @transform_8, window_bounds = array<i64: 32, 64>}, {pipeline_mode = #tpu.pipeline_mode<synchronous>, transform_indices = @transform_9, window_bounds = array<i64: 32, 64>}, {pipeline_mode = #tpu.pipeline_mode<synchronous>, transform_indices = @transform_10, window_bounds = array<i64: 64, 128>}, {pipeline_mode = #tpu.pipeline_mode<synchronous>, transform_indices = @transform_11, window_bounds = array<i64: 64, 128>}, {pipeline_mode = #tpu.pipeline_mode<synchronous>, transform_indices = @transform_12, window_bounds = array<i64: 64, 128>}, {pipeline_mode = #tpu.pipeline_mode<synchronous>, transform_indices = @transform_13, window_bounds = array<i64: 64, 128>}, {pipeline_mode = #tpu.pipeline_mode<synchronous>, transform_indices = @transform_14, window_bounds = array<i64: 1, 128>}, {pipeline_mode = #tpu.pipeline_mode<synchronous>, transform_indices = @transform_15, window_bounds = array<i64: 1, 128>}, {pipeline_mode = #tpu.pipeline_mode<synchronous>, transform_indices = @transform_16, window_bounds = array<i64: 1, 128>}, {pipeline_mode = #tpu.pipeline_mode<synchronous>, transform_indices = @transform_17, window_bounds = array<i64: 128, 64>}, {pipeline_mode = #tpu.pipeline_mode<synchronous>, transform_indices = @transform_18, window_bounds = array<i64: 1, 64>}, {pipeline_mode = #tpu.pipeline_mode<synchronous>, transform_indices = @transform_19, window_bounds = array<i64: 1, 64>}, {pipeline_mode = #tpu.pipeline_mode<synchronous>, transform_indices = @transform_20, window_bounds = array<i64: 1, 64>}, {pipeline_mode = #tpu.pipeline_mode<synchronous>, transform_indices = @transform_21, window_bounds = array<i64: 64, 64>}, {pipeline_mode = #tpu.pipeline_mode<synchronous>, transform_indices = @transform_22, window_bounds = array<i64: 1, 64>}, {pipeline_mode = #tpu.pipeline_mode<synchronous>, transform_indices = @transform_23, window_bounds = array<i64: 64, 128>}, {pipeline_mode = #tpu.pipeline_mode<synchronous>, transform_indices = @transform_24, window_bounds = array<i64: 64, 128>}, {pipeline_mode = #tpu.pipeline_mode<synchronous>, transform_indices = @transform_25, window_bounds = array<i64: 1, 128>}, {pipeline_mode = #tpu.pipeline_mode<synchronous>, transform_indices = @transform_26, window_bounds = array<i64: 1, 128>}, {pipeline_mode = #tpu.pipeline_mode<synchronous>, transform_indices = @transform_27, window_bounds = array<i64: 1, 128>}, {pipeline_mode = #tpu.pipeline_mode<synchronous>, transform_indices = @transform_28, window_bounds = array<i64: 128, 64>}, {pipeline_mode = #tpu.pipeline_mode<synchronous>, transform_indices = @transform_29, window_bounds = array<i64: 1, 64>}, {pipeline_mode = #tpu.pipeline_mode<synchronous>, transform_indices = @transform_30, window_bounds = array<i64: 1, 64>}, {pipeline_mode = #tpu.pipeline_mode<synchronous>, transform_indices = @transform_31, window_bounds = array<i64: 1, 64>}, {pipeline_mode = #tpu.pipeline_mode<synchronous>, transform_indices = @transform_32, window_bounds = array<i64: 64, 64>}, {pipeline_mode = #tpu.pipeline_mode<synchronous>, transform_indices = @transform_33, window_bounds = array<i64: 1, 64>}, {pipeline_mode = #tpu.pipeline_mode<synchronous>, transform_indices = @transform_34, window_bounds = array<i64: 1, 64>}, {pipeline_mode = #tpu.pipeline_mode<synchronous>, transform_indices = @transform_35, window_bounds = array<i64: 1, 64>}, {transform_indices = @transform_36, window_bounds = array<i64: 1024, 1>}]} {
    %get3A = arith.constant 0 : index
    %get3A_0 = vector.load %arg4[%get3A] : memref<1024xi32, #tpu.memory_space<vmem>>, vector<1024xi32>
    %get3A_1 = arith.constant 0 : index
    %get3A_2 = vector.load %arg5[%get3A_1] : memref<1024xi32, #tpu.memory_space<vmem>>, vector<1024xi32>
    %iota3A = tpu.iota {dimensions = array<i32: 1>} : vector<1024x32xi32>
    %broadcast_in_dim3A = vector.shape_cast %get3A_0 : vector<1024xi32> to vector<1024x1xi32>
    %eq3A = vector.broadcast %broadcast_in_dim3A : vector<1024x1xi32> to vector<1024x32xi32>
    %eq3A_3 = arith.cmpi eq, %eq3A, %iota3A : vector<1024x32xi32>
    %convert_element_type3A = arith.extui %eq3A_3 : vector<1024x32xi1> to vector<1024x32xi32>
    %convert_element_type3A_4 = arith.sitofp %convert_element_type3A : vector<1024x32xi32> to vector<1024x32xf32>
    %broadcast_in_dim3A_5 = vector.shape_cast %get3A_2 : vector<1024xi32> to vector<1024x1xi32>
    %eq3A_6 = vector.broadcast %broadcast_in_dim3A_5 : vector<1024x1xi32> to vector<1024x32xi32>
    %eq3A_7 = arith.cmpi eq, %eq3A_6, %iota3A : vector<1024x32xi32>
    %convert_element_type3A_8 = arith.extui %eq3A_7 : vector<1024x32xi1> to vector<1024x32xi32>
    %convert_element_type3A_9 = arith.sitofp %convert_element_type3A_8 : vector<1024x32xi32> to vector<1024x32xf32>
    %get3A_10 = arith.constant 0 : index
    %get3A_11 = arith.constant 0 : index
    %get3A_12 = vector.load %arg9[%get3A_10, %get3A_11] : memref<32x64xf32, #tpu.memory_space<vmem>>, vector<32x64xf32>
    %get3A_13 = arith.constant 0 : index
    %get3A_14 = arith.constant 0 : index
    %get3A_15 = vector.load %arg13[%get3A_13, %get3A_14] : memref<64x128xf32, #tpu.memory_space<vmem>>, vector<64x128xf32>
    %dot_general3A = arith.constant dense<0.000000e+00> : vector<32x128xf32>
    %dot_general3A_16 = tpu.matmul %get3A_12, %get3A_15, %dot_general3A {dimension_numbers = #tpu.dot_dimension_numbers<[1], [0], [0], [1], [0, 0, 1, 1], [], []>, transpose_lhs_hint = false} : vector<32x64xf32>, vector<64x128xf32>, vector<32x128xf32> -> vector<32x128xf32>
    %get3A_17 = arith.constant 0 : index
    %get3A_18 = arith.constant 0 : index
    %get3A_19 = vector.load %arg10[%get3A_17, %get3A_18] : memref<32x64xf32, #tpu.memory_space<vmem>>, vector<32x64xf32>
    %get3A_20 = arith.constant 0 : index
    %get3A_21 = arith.constant 0 : index
    %get3A_22 = vector.load %arg14[%get3A_20, %get3A_21] : memref<64x128xf32, #tpu.memory_space<vmem>>, vector<64x128xf32>
    %dot_general3A_23 = arith.constant dense<0.000000e+00> : vector<32x128xf32>
    %dot_general3A_24 = tpu.matmul %get3A_19, %get3A_22, %dot_general3A_23 {dimension_numbers = #tpu.dot_dimension_numbers<[1], [0], [0], [1], [0, 0, 1, 1], [], []>, transpose_lhs_hint = false} : vector<32x64xf32>, vector<64x128xf32>, vector<32x128xf32> -> vector<32x128xf32>
    %get3A_25 = arith.constant 0 : index
    %get3A_26 = vector.load %arg3[%get3A_25] : memref<1024xi32, #tpu.memory_space<vmem>>, vector<1024xi32>
    %broadcast_in_dim3A_27 = vector.shape_cast %get3A_26 : vector<1024xi32> to vector<1024x1xi32>
    %eq3A_28 = arith.constant 1 : i32
    %eq3A_29 = vector.broadcast %eq3A_28 : i32 to vector<1024x1xi32>
    %eq3A_30 = arith.cmpi eq, %broadcast_in_dim3A_27, %eq3A_29 : vector<1024x1xi32>
    %get3A_31 = arith.constant 0 : index
    %get3A_32 = arith.constant 64 : index
    %get3A_33 = vector.load %arg2[%get3A_31, %get3A_32] : memref<1024x128xf32, #tpu.memory_space<vmem>>, vector<1024x64xf32>
    %get3A_34 = arith.constant 0 : index
    %get3A_35 = arith.constant 0 : index
    %get3A_36 = vector.load %arg2[%get3A_34, %get3A_35] : memref<1024x128xf32, #tpu.memory_space<vmem>>, vector<1024x64xf32>
    %broadcast_in_dim3A_37 = vector.shape_cast %eq3A_30 : vector<1024x1xi1> to vector<1024x1xi1>
    %broadcast_in_dim3A_38 = vector.broadcast %broadcast_in_dim3A_37 : vector<1024x1xi1> to vector<1024x64xi1>
    %select_n3A = arith.select %broadcast_in_dim3A_38, %get3A_33, %get3A_36 : vector<1024x64xi1>, vector<1024x64xf32>
    %get3A_39 = arith.constant 0 : index
    %get3A_40 = vector.load %arg8[%get3A_39] : memref<1024xi32, #tpu.memory_space<vmem>>, vector<1024xi32>
    %broadcast_in_dim3A_41 = vector.shape_cast %get3A_40 : vector<1024xi32> to vector<1024x1xi32>
    %eq3A_42 = arith.constant 1 : i32
    %eq3A_43 = vector.broadcast %eq3A_42 : i32 to vector<1024x1xi32>
    %eq3A_44 = arith.cmpi eq, %broadcast_in_dim3A_41, %eq3A_43 : vector<1024x1xi32>
    %get3A_45 = arith.constant 0 : index
    %get3A_46 = arith.constant 64 : index
    %get3A_47 = vector.load %arg7[%get3A_45, %get3A_46] : memref<1024x128xf32, #tpu.memory_space<vmem>>, vector<1024x64xf32>
    %get3A_48 = arith.constant 0 : index
    %get3A_49 = arith.constant 0 : index
    %get3A_50 = vector.load %arg7[%get3A_48, %get3A_49] : memref<1024x128xf32, #tpu.memory_space<vmem>>, vector<1024x64xf32>
    %broadcast_in_dim3A_51 = vector.shape_cast %eq3A_44 : vector<1024x1xi1> to vector<1024x1xi1>
    %broadcast_in_dim3A_52 = vector.broadcast %broadcast_in_dim3A_51 : vector<1024x1xi1> to vector<1024x64xi1>
    %select_n3A_53 = arith.select %broadcast_in_dim3A_52, %get3A_47, %get3A_50 : vector<1024x64xi1>, vector<1024x64xf32>
    %get3A_54 = arith.constant 0 : index
    %get3A_55 = arith.constant 0 : index
    %get3A_56 = vector.load %arg1[%get3A_54, %get3A_55] : memref<64x1024xf32, #tpu.memory_space<vmem>>, vector<64x1024xf32>
    %get3A_57 = arith.constant 0 : index
    %get3A_58 = arith.constant 0 : index
    %get3A_59 = vector.load %arg11[%get3A_57, %get3A_58] : memref<64x128xf32, #tpu.memory_space<vmem>>, vector<64x128xf32>
    %dot_general3A_60 = arith.constant dense<0.000000e+00> : vector<1024x128xf32>
    %dot_general3A_61 = tpu.matmul %get3A_56, %get3A_59, %dot_general3A_60 {dimension_numbers = #tpu.dot_dimension_numbers<[0], [0], [1], [1], [0, 1, 1, 1], [], []>, transpose_lhs_hint = false} : vector<64x1024xf32>, vector<64x128xf32>, vector<1024x128xf32> -> vector<1024x128xf32>
    %get3A_62 = arith.constant 0 : index
    %get3A_63 = arith.constant 0 : index
    %get3A_64 = vector.load %arg12[%get3A_62, %get3A_63] : memref<64x128xf32, #tpu.memory_space<vmem>>, vector<64x128xf32>
    %dot_general3A_65 = arith.constant dense<0.000000e+00> : vector<1024x128xf32>
    %dot_general3A_66 = tpu.matmul %select_n3A, %get3A_64, %dot_general3A_65 {dimension_numbers = #tpu.dot_dimension_numbers<[1], [0], [0], [1], [0, 0, 1, 1], [], []>, transpose_lhs_hint = false} : vector<1024x64xf32>, vector<64x128xf32>, vector<1024x128xf32> -> vector<1024x128xf32>
    %add3A = arith.addf %dot_general3A_61, %dot_general3A_66 : vector<1024x128xf32>
    %dot_general3A_67 = arith.constant dense<0.000000e+00> : vector<1024x128xf32>
    %dot_general3A_68 = tpu.matmul %convert_element_type3A_4, %dot_general3A_16, %dot_general3A_67 {dimension_numbers = #tpu.dot_dimension_numbers<[1], [0], [0], [1], [0, 0, 1, 1], [], []>, transpose_lhs_hint = false} : vector<1024x32xf32>, vector<32x128xf32>, vector<1024x128xf32> -> vector<1024x128xf32>
    %add3A_69 = arith.addf %add3A, %dot_general3A_68 : vector<1024x128xf32>
    %dot_general3A_70 = arith.constant dense<0.000000e+00> : vector<1024x128xf32>
    %dot_general3A_71 = tpu.matmul %convert_element_type3A_9, %dot_general3A_24, %dot_general3A_70 {dimension_numbers = #tpu.dot_dimension_numbers<[1], [0], [0], [1], [0, 0, 1, 1], [], []>, transpose_lhs_hint = false} : vector<1024x32xf32>, vector<32x128xf32>, vector<1024x128xf32> -> vector<1024x128xf32>
    %add3A_72 = arith.addf %add3A_69, %dot_general3A_71 : vector<1024x128xf32>
    %get3A_73 = arith.constant 0 : index
    %get3A_74 = arith.constant 0 : index
    %get3A_75 = vector.load %arg15[%get3A_73, %get3A_74] : memref<1x128xf32, #tpu.memory_space<vmem>>, vector<1x128xf32>
    %add3A_76 = vector.broadcast %get3A_75 : vector<1x128xf32> to vector<1024x128xf32>
    %add3A_77 = arith.addf %add3A_72, %add3A_76 : vector<1024x128xf32>
    %max3A = arith.constant 0.000000e+00 : f32
    %max3A_78 = vector.broadcast %max3A : f32 to vector<1024x128xf32>
    %max3A_79 = arith.maximumf %add3A_77, %max3A_78 : vector<1024x128xf32>
    %get3A_80 = arith.constant 0 : index
    %get3A_81 = arith.constant 0 : index
    %get3A_82 = vector.load %arg16[%get3A_80, %get3A_81] : memref<1x128xf32, #tpu.memory_space<vmem>>, vector<1x128xf32>
    %mul3A = vector.broadcast %get3A_82 : vector<1x128xf32> to vector<1024x128xf32>
    %mul3A_83 = arith.mulf %max3A_79, %mul3A : vector<1024x128xf32>
    %get3A_84 = arith.constant 0 : index
    %get3A_85 = arith.constant 0 : index
    %get3A_86 = vector.load %arg17[%get3A_84, %get3A_85] : memref<1x128xf32, #tpu.memory_space<vmem>>, vector<1x128xf32>
    %add3A_87 = vector.broadcast %get3A_86 : vector<1x128xf32> to vector<1024x128xf32>
    %add3A_88 = arith.addf %mul3A_83, %add3A_87 : vector<1024x128xf32>
    %get3A_89 = arith.constant 0 : index
    %get3A_90 = arith.constant 0 : index
    %get3A_91 = vector.load %arg18[%get3A_89, %get3A_90] : memref<128x64xf32, #tpu.memory_space<vmem>>, vector<128x64xf32>
    %dot_general3A_92 = arith.constant dense<0.000000e+00> : vector<1024x64xf32>
    %dot_general3A_93 = tpu.matmul %add3A_88, %get3A_91, %dot_general3A_92 {dimension_numbers = #tpu.dot_dimension_numbers<[1], [0], [0], [1], [0, 0, 1, 1], [], []>, transpose_lhs_hint = false} : vector<1024x128xf32>, vector<128x64xf32>, vector<1024x64xf32> -> vector<1024x64xf32>
    %get3A_94 = arith.constant 0 : index
    %get3A_95 = arith.constant 0 : index
    %get3A_96 = vector.load %arg19[%get3A_94, %get3A_95] : memref<1x64xf32, #tpu.memory_space<vmem>>, vector<1x64xf32>
    %add3A_97 = vector.broadcast %get3A_96 : vector<1x64xf32> to vector<1024x64xf32>
    %add3A_98 = arith.addf %dot_general3A_93, %add3A_97 : vector<1024x64xf32>
    %max3A_99 = arith.constant 0.000000e+00 : f32
    %max3A_100 = vector.broadcast %max3A_99 : f32 to vector<1024x64xf32>
    %max3A_101 = arith.maximumf %add3A_98, %max3A_100 : vector<1024x64xf32>
    %get3A_102 = arith.constant 0 : index
    %get3A_103 = arith.constant 0 : index
    %get3A_104 = vector.load %arg20[%get3A_102, %get3A_103] : memref<1x64xf32, #tpu.memory_space<vmem>>, vector<1x64xf32>
    %mul3A_105 = vector.broadcast %get3A_104 : vector<1x64xf32> to vector<1024x64xf32>
    %mul3A_106 = arith.mulf %max3A_101, %mul3A_105 : vector<1024x64xf32>
    %get3A_107 = arith.constant 0 : index
    %get3A_108 = arith.constant 0 : index
    %get3A_109 = vector.load %arg21[%get3A_107, %get3A_108] : memref<1x64xf32, #tpu.memory_space<vmem>>, vector<1x64xf32>
    %add3A_110 = vector.broadcast %get3A_109 : vector<1x64xf32> to vector<1024x64xf32>
    %add3A_111 = arith.addf %mul3A_106, %add3A_110 : vector<1024x64xf32>
    %get3A_112 = arith.constant 0 : index
    %get3A_113 = arith.constant 0 : index
    %get3A_114 = vector.load %arg22[%get3A_112, %get3A_113] : memref<64x64xf32, #tpu.memory_space<vmem>>, vector<64x64xf32>
    %dot_general3A_115 = arith.constant dense<0.000000e+00> : vector<1024x64xf32>
    %dot_general3A_116 = tpu.matmul %add3A_111, %get3A_114, %dot_general3A_115 {dimension_numbers = #tpu.dot_dimension_numbers<[1], [0], [0], [1], [0, 0, 1, 1], [], []>, transpose_lhs_hint = false} : vector<1024x64xf32>, vector<64x64xf32>, vector<1024x64xf32> -> vector<1024x64xf32>
    %get3A_117 = arith.constant 0 : index
    %get3A_118 = arith.constant 0 : index
    %get3A_119 = vector.load %arg23[%get3A_117, %get3A_118] : memref<1x64xf32, #tpu.memory_space<vmem>>, vector<1x64xf32>
    %add3A_120 = vector.broadcast %get3A_119 : vector<1x64xf32> to vector<1024x64xf32>
    %add3A_121 = arith.addf %dot_general3A_116, %add3A_120 : vector<1024x64xf32>
    %get3A_122 = arith.constant 0 : index
    %get3A_123 = arith.constant 0 : index
    %get3A_124 = vector.load %arg6[%get3A_122, %get3A_123] : memref<64x1024xf32, #tpu.memory_space<vmem>>, vector<64x1024xf32>
    %get3A_125 = arith.constant 0 : index
    %get3A_126 = arith.constant 0 : index
    %get3A_127 = vector.load %arg24[%get3A_125, %get3A_126] : memref<64x128xf32, #tpu.memory_space<vmem>>, vector<64x128xf32>
    %dot_general3A_128 = arith.constant dense<0.000000e+00> : vector<1024x128xf32>
    %dot_general3A_129 = tpu.matmul %get3A_124, %get3A_127, %dot_general3A_128 {dimension_numbers = #tpu.dot_dimension_numbers<[0], [0], [1], [1], [0, 1, 1, 1], [], []>, transpose_lhs_hint = false} : vector<64x1024xf32>, vector<64x128xf32>, vector<1024x128xf32> -> vector<1024x128xf32>
    %get3A_130 = arith.constant 0 : index
    %get3A_131 = arith.constant 0 : index
    %get3A_132 = vector.load %arg25[%get3A_130, %get3A_131] : memref<64x128xf32, #tpu.memory_space<vmem>>, vector<64x128xf32>
    %dot_general3A_133 = arith.constant dense<0.000000e+00> : vector<1024x128xf32>
    %dot_general3A_134 = tpu.matmul %select_n3A_53, %get3A_132, %dot_general3A_133 {dimension_numbers = #tpu.dot_dimension_numbers<[1], [0], [0], [1], [0, 0, 1, 1], [], []>, transpose_lhs_hint = false} : vector<1024x64xf32>, vector<64x128xf32>, vector<1024x128xf32> -> vector<1024x128xf32>
    %add3A_135 = arith.addf %dot_general3A_129, %dot_general3A_134 : vector<1024x128xf32>
    %get3A_136 = arith.constant 0 : index
    %get3A_137 = arith.constant 0 : index
    %get3A_138 = vector.load %arg26[%get3A_136, %get3A_137] : memref<1x128xf32, #tpu.memory_space<vmem>>, vector<1x128xf32>
    %add3A_139 = vector.broadcast %get3A_138 : vector<1x128xf32> to vector<1024x128xf32>
    %add3A_140 = arith.addf %add3A_135, %add3A_139 : vector<1024x128xf32>
    %max3A_141 = arith.constant 0.000000e+00 : f32
    %max3A_142 = vector.broadcast %max3A_141 : f32 to vector<1024x128xf32>
    %max3A_143 = arith.maximumf %add3A_140, %max3A_142 : vector<1024x128xf32>
    %get3A_144 = arith.constant 0 : index
    %get3A_145 = arith.constant 0 : index
    %get3A_146 = vector.load %arg27[%get3A_144, %get3A_145] : memref<1x128xf32, #tpu.memory_space<vmem>>, vector<1x128xf32>
    %mul3A_147 = vector.broadcast %get3A_146 : vector<1x128xf32> to vector<1024x128xf32>
    %mul3A_148 = arith.mulf %max3A_143, %mul3A_147 : vector<1024x128xf32>
    %get3A_149 = arith.constant 0 : index
    %get3A_150 = arith.constant 0 : index
    %get3A_151 = vector.load %arg28[%get3A_149, %get3A_150] : memref<1x128xf32, #tpu.memory_space<vmem>>, vector<1x128xf32>
    %add3A_152 = vector.broadcast %get3A_151 : vector<1x128xf32> to vector<1024x128xf32>
    %add3A_153 = arith.addf %mul3A_148, %add3A_152 : vector<1024x128xf32>
    %get3A_154 = arith.constant 0 : index
    %get3A_155 = arith.constant 0 : index
    %get3A_156 = vector.load %arg29[%get3A_154, %get3A_155] : memref<128x64xf32, #tpu.memory_space<vmem>>, vector<128x64xf32>
    %dot_general3A_157 = arith.constant dense<0.000000e+00> : vector<1024x64xf32>
    %dot_general3A_158 = tpu.matmul %add3A_153, %get3A_156, %dot_general3A_157 {dimension_numbers = #tpu.dot_dimension_numbers<[1], [0], [0], [1], [0, 0, 1, 1], [], []>, transpose_lhs_hint = false} : vector<1024x128xf32>, vector<128x64xf32>, vector<1024x64xf32> -> vector<1024x64xf32>
    %get3A_159 = arith.constant 0 : index
    %get3A_160 = arith.constant 0 : index
    %get3A_161 = vector.load %arg30[%get3A_159, %get3A_160] : memref<1x64xf32, #tpu.memory_space<vmem>>, vector<1x64xf32>
    %add3A_162 = vector.broadcast %get3A_161 : vector<1x64xf32> to vector<1024x64xf32>
    %add3A_163 = arith.addf %dot_general3A_158, %add3A_162 : vector<1024x64xf32>
    %max3A_164 = arith.constant 0.000000e+00 : f32
    %max3A_165 = vector.broadcast %max3A_164 : f32 to vector<1024x64xf32>
    %max3A_166 = arith.maximumf %add3A_163, %max3A_165 : vector<1024x64xf32>
    %get3A_167 = arith.constant 0 : index
    %get3A_168 = arith.constant 0 : index
    %get3A_169 = vector.load %arg31[%get3A_167, %get3A_168] : memref<1x64xf32, #tpu.memory_space<vmem>>, vector<1x64xf32>
    %mul3A_170 = vector.broadcast %get3A_169 : vector<1x64xf32> to vector<1024x64xf32>
    %mul3A_171 = arith.mulf %max3A_166, %mul3A_170 : vector<1024x64xf32>
    %get3A_172 = arith.constant 0 : index
    %get3A_173 = arith.constant 0 : index
    %get3A_174 = vector.load %arg32[%get3A_172, %get3A_173] : memref<1x64xf32, #tpu.memory_space<vmem>>, vector<1x64xf32>
    %add3A_175 = vector.broadcast %get3A_174 : vector<1x64xf32> to vector<1024x64xf32>
    %add3A_176 = arith.addf %mul3A_171, %add3A_175 : vector<1024x64xf32>
    %get3A_177 = arith.constant 0 : index
    %get3A_178 = arith.constant 0 : index
    %get3A_179 = vector.load %arg33[%get3A_177, %get3A_178] : memref<64x64xf32, #tpu.memory_space<vmem>>, vector<64x64xf32>
    %dot_general3A_180 = arith.constant dense<0.000000e+00> : vector<1024x64xf32>
    %dot_general3A_181 = tpu.matmul %add3A_176, %get3A_179, %dot_general3A_180 {dimension_numbers = #tpu.dot_dimension_numbers<[1], [0], [0], [1], [0, 0, 1, 1], [], []>, transpose_lhs_hint = false} : vector<1024x64xf32>, vector<64x64xf32>, vector<1024x64xf32> -> vector<1024x64xf32>
    %get3A_182 = arith.constant 0 : index
    %get3A_183 = arith.constant 0 : index
    %get3A_184 = vector.load %arg34[%get3A_182, %get3A_183] : memref<1x64xf32, #tpu.memory_space<vmem>>, vector<1x64xf32>
    %add3A_185 = vector.broadcast %get3A_184 : vector<1x64xf32> to vector<1024x64xf32>
    %add3A_186 = arith.addf %dot_general3A_181, %add3A_185 : vector<1024x64xf32>
    %reduce_sum3A = arith.constant dense<0.000000e+00> : vector<1024xf32>
    %reduce_sum3A_187 = vector.multi_reduction <add>, %add3A_121, %reduce_sum3A [1] : vector<1024x64xf32> to vector<1024xf32>
    %broadcast_in_dim3A_188 = vector.shape_cast %reduce_sum3A_187 : vector<1024xf32> to vector<1024x1xf32>
    %div3A = arith.constant 6.400000e+01 : f32
    %div3A_189 = vector.broadcast %div3A : f32 to vector<1024x1xf32>
    %div3A_190 = arith.divf %broadcast_in_dim3A_188, %div3A_189 : vector<1024x1xf32>
    %sub3A = vector.broadcast %div3A_190 : vector<1024x1xf32> to vector<1024x64xf32>
    %sub3A_191 = arith.subf %add3A_121, %sub3A : vector<1024x64xf32>
    %mul3A_192 = arith.mulf %sub3A_191, %sub3A_191 : vector<1024x64xf32>
    %reduce_sum3A_193 = arith.constant dense<0.000000e+00> : vector<1024xf32>
    %reduce_sum3A_194 = vector.multi_reduction <add>, %mul3A_192, %reduce_sum3A_193 [1] : vector<1024x64xf32> to vector<1024xf32>
    %broadcast_in_dim3A_195 = vector.shape_cast %reduce_sum3A_194 : vector<1024xf32> to vector<1024x1xf32>
    %div3A_196 = arith.constant 6.400000e+01 : f32
    %div3A_197 = vector.broadcast %div3A_196 : f32 to vector<1024x1xf32>
    %div3A_198 = arith.divf %broadcast_in_dim3A_195, %div3A_197 : vector<1024x1xf32>
    %add3A_199 = arith.constant 9.99999974E-6 : f32
    %add3A_200 = vector.broadcast %add3A_199 : f32 to vector<1024x1xf32>
    %add3A_201 = arith.addf %div3A_198, %add3A_200 : vector<1024x1xf32>
    %rsqrt3A = math.rsqrt %add3A_201 : vector<1024x1xf32>
    %mul3A_202 = vector.broadcast %rsqrt3A : vector<1024x1xf32> to vector<1024x64xf32>
    %mul3A_203 = arith.mulf %sub3A_191, %mul3A_202 : vector<1024x64xf32>
    %get3A_204 = arith.constant 0 : index
    %get3A_205 = arith.constant 0 : index
    %get3A_206 = vector.load %arg35[%get3A_204, %get3A_205] : memref<1x64xf32, #tpu.memory_space<vmem>>, vector<1x64xf32>
    %mul3A_207 = vector.broadcast %get3A_206 : vector<1x64xf32> to vector<1024x64xf32>
    %mul3A_208 = arith.mulf %mul3A_203, %mul3A_207 : vector<1024x64xf32>
    %get3A_209 = arith.constant 0 : index
    %get3A_210 = arith.constant 0 : index
    %get3A_211 = vector.load %arg36[%get3A_209, %get3A_210] : memref<1x64xf32, #tpu.memory_space<vmem>>, vector<1x64xf32>
    %add3A_212 = vector.broadcast %get3A_211 : vector<1x64xf32> to vector<1024x64xf32>
    %add3A_213 = arith.addf %mul3A_208, %add3A_212 : vector<1024x64xf32>
    %reduce_sum3A_214 = arith.constant dense<0.000000e+00> : vector<1024xf32>
    %reduce_sum3A_215 = vector.multi_reduction <add>, %add3A_186, %reduce_sum3A_214 [1] : vector<1024x64xf32> to vector<1024xf32>
    %broadcast_in_dim3A_216 = vector.shape_cast %reduce_sum3A_215 : vector<1024xf32> to vector<1024x1xf32>
    %div3A_217 = arith.constant 6.400000e+01 : f32
    %div3A_218 = vector.broadcast %div3A_217 : f32 to vector<1024x1xf32>
    %div3A_219 = arith.divf %broadcast_in_dim3A_216, %div3A_218 : vector<1024x1xf32>
    %sub3A_220 = vector.broadcast %div3A_219 : vector<1024x1xf32> to vector<1024x64xf32>
    %sub3A_221 = arith.subf %add3A_186, %sub3A_220 : vector<1024x64xf32>
    %mul3A_222 = arith.mulf %sub3A_221, %sub3A_221 : vector<1024x64xf32>
    %reduce_sum3A_223 = arith.constant dense<0.000000e+00> : vector<1024xf32>
    %reduce_sum3A_224 = vector.multi_reduction <add>, %mul3A_222, %reduce_sum3A_223 [1] : vector<1024x64xf32> to vector<1024xf32>
    %broadcast_in_dim3A_225 = vector.shape_cast %reduce_sum3A_224 : vector<1024xf32> to vector<1024x1xf32>
    %div3A_226 = arith.constant 6.400000e+01 : f32
    %div3A_227 = vector.broadcast %div3A_226 : f32 to vector<1024x1xf32>
    %div3A_228 = arith.divf %broadcast_in_dim3A_225, %div3A_227 : vector<1024x1xf32>
    %add3A_229 = arith.constant 9.99999974E-6 : f32
    %add3A_230 = vector.broadcast %add3A_229 : f32 to vector<1024x1xf32>
    %add3A_231 = arith.addf %div3A_228, %add3A_230 : vector<1024x1xf32>
    %rsqrt3A_232 = math.rsqrt %add3A_231 : vector<1024x1xf32>
    %mul3A_233 = vector.broadcast %rsqrt3A_232 : vector<1024x1xf32> to vector<1024x64xf32>
    %mul3A_234 = arith.mulf %sub3A_221, %mul3A_233 : vector<1024x64xf32>
    %get3A_235 = arith.constant 0 : index
    %get3A_236 = arith.constant 0 : index
    %get3A_237 = vector.load %arg35[%get3A_235, %get3A_236] : memref<1x64xf32, #tpu.memory_space<vmem>>, vector<1x64xf32>
    %mul3A_238 = vector.broadcast %get3A_237 : vector<1x64xf32> to vector<1024x64xf32>
    %mul3A_239 = arith.mulf %mul3A_234, %mul3A_238 : vector<1024x64xf32>
    %get3A_240 = arith.constant 0 : index
    %get3A_241 = arith.constant 0 : index
    %get3A_242 = vector.load %arg36[%get3A_240, %get3A_241] : memref<1x64xf32, #tpu.memory_space<vmem>>, vector<1x64xf32>
    %add3A_243 = vector.broadcast %get3A_242 : vector<1x64xf32> to vector<1024x64xf32>
    %add3A_244 = arith.addf %mul3A_239, %add3A_243 : vector<1024x64xf32>
    %mul3A_245 = arith.mulf %add3A_213, %add3A_213 : vector<1024x64xf32>
    %reduce_sum3A_246 = arith.constant dense<0.000000e+00> : vector<1024xf32>
    %reduce_sum3A_247 = vector.multi_reduction <add>, %mul3A_245, %reduce_sum3A_246 [1] : vector<1024x64xf32> to vector<1024xf32>
    %broadcast_in_dim3A_248 = vector.shape_cast %reduce_sum3A_247 : vector<1024xf32> to vector<1024x1xf32>
    %mul3A_249 = arith.mulf %add3A_244, %add3A_244 : vector<1024x64xf32>
    %reduce_sum3A_250 = arith.constant dense<0.000000e+00> : vector<1024xf32>
    %reduce_sum3A_251 = vector.multi_reduction <add>, %mul3A_249, %reduce_sum3A_250 [1] : vector<1024x64xf32> to vector<1024xf32>
    %broadcast_in_dim3A_252 = vector.shape_cast %reduce_sum3A_251 : vector<1024xf32> to vector<1024x1xf32>
    %mul3A_253 = arith.mulf %add3A_213, %add3A_244 : vector<1024x64xf32>
    %reduce_sum3A_254 = arith.constant dense<0.000000e+00> : vector<1024xf32>
    %reduce_sum3A_255 = vector.multi_reduction <add>, %mul3A_253, %reduce_sum3A_254 [1] : vector<1024x64xf32> to vector<1024xf32>
    %broadcast_in_dim3A_256 = vector.shape_cast %reduce_sum3A_255 : vector<1024xf32> to vector<1024x1xf32>
    %sqrt3A = math.sqrt %broadcast_in_dim3A_248 : vector<1024x1xf32>
    %max3A_257 = arith.constant 9.99999996E-13 : f32
    %max3A_258 = vector.broadcast %max3A_257 : f32 to vector<1024x1xf32>
    %max3A_259 = arith.maximumf %sqrt3A, %max3A_258 : vector<1024x1xf32>
    %sqrt3A_260 = math.sqrt %broadcast_in_dim3A_252 : vector<1024x1xf32>
    %max3A_261 = arith.constant 9.99999996E-13 : f32
    %max3A_262 = vector.broadcast %max3A_261 : f32 to vector<1024x1xf32>
    %max3A_263 = arith.maximumf %sqrt3A_260, %max3A_262 : vector<1024x1xf32>
    %mul3A_264 = arith.mulf %max3A_259, %max3A_263 : vector<1024x1xf32>
    %div3A_265 = arith.divf %broadcast_in_dim3A_256, %mul3A_264 : vector<1024x1xf32>
    %mul3A_266 = arith.constant 14.2857141 : f32
    %mul3A_267 = vector.broadcast %mul3A_266 : f32 to vector<1024x1xf32>
    %mul3A_268 = arith.mulf %div3A_265, %mul3A_267 : vector<1024x1xf32>
    %swap3A = arith.constant 0 : index
    %swap3A_269 = arith.constant 0 : index
    %swap3A_270 = vector.load %arg37[%swap3A, %swap3A_269] : memref<1024x1xf32, #tpu.memory_space<vmem>>, vector<1024x1xf32>
    tpu.vector_store %arg37[%swap3A, %swap3A_269], %mul3A_268 {strides = array<i32>} : memref<1024x1xf32, #tpu.memory_space<vmem>>, vector<1024x1xf32>,
    return
  }
  func.func @transform_0(%arg0: i32) -> (i32, i32) {
    %c0_i32 = arith.constant 0 : i32
    %c0_i32_0 = arith.constant 0 : i32
    return %c0_i32, %arg0 : i32, i32
  }
  func.func @transform_1(%arg0: i32) -> (i32, i32) {
    %c0_i32 = arith.constant 0 : i32
    %c0_i32_0 = arith.constant 0 : i32
    return %arg0, %c0_i32 : i32, i32
  }
  func.func @transform_2(%arg0: i32) -> i32 {
    %c0_i32 = arith.constant 0 : i32
    return %arg0 : i32
  }
  func.func @transform_3(%arg0: i32) -> i32 {
    %c0_i32 = arith.constant 0 : i32
    return %arg0 : i32
  }
  func.func @transform_4(%arg0: i32) -> i32 {
    %c0_i32 = arith.constant 0 : i32
    return %arg0 : i32
  }
  func.func @transform_5(%arg0: i32) -> (i32, i32) {
    %c0_i32 = arith.constant 0 : i32
    %c0_i32_0 = arith.constant 0 : i32
    return %c0_i32, %arg0 : i32, i32
  }
  func.func @transform_6(%arg0: i32) -> (i32, i32) {
    %c0_i32 = arith.constant 0 : i32
    %c0_i32_0 = arith.constant 0 : i32
    return %arg0, %c0_i32 : i32, i32
  }
  func.func @transform_7(%arg0: i32) -> i32 {
    %c0_i32 = arith.constant 0 : i32
    return %arg0 : i32
  }
  func.func @transform_8(%arg0: i32) -> (i32, i32) {
    %c0_i32 = arith.constant 0 : i32
    %c0_i32_0 = arith.constant 0 : i32
    %c0_i32_1 = arith.constant 0 : i32
    return %c0_i32, %c0_i32_0 : i32, i32
  }
  func.func @transform_9(%arg0: i32) -> (i32, i32) {
    %c0_i32 = arith.constant 0 : i32
    %c0_i32_0 = arith.constant 0 : i32
    %c0_i32_1 = arith.constant 0 : i32
    return %c0_i32, %c0_i32_0 : i32, i32
  }
  func.func @transform_10(%arg0: i32) -> (i32, i32) {
    %c0_i32 = arith.constant 0 : i32
    %c0_i32_0 = arith.constant 0 : i32
    %c0_i32_1 = arith.constant 0 : i32
    return %c0_i32, %c0_i32_0 : i32, i32
  }
  func.func @transform_11(%arg0: i32) -> (i32, i32) {
    %c0_i32 = arith.constant 0 : i32
    %c0_i32_0 = arith.constant 0 : i32
    %c0_i32_1 = arith.constant 0 : i32
    return %c0_i32, %c0_i32_0 : i32, i32
  }
  func.func @transform_12(%arg0: i32) -> (i32, i32) {
    %c0_i32 = arith.constant 0 : i32
    %c0_i32_0 = arith.constant 0 : i32
    %c0_i32_1 = arith.constant 0 : i32
    return %c0_i32, %c0_i32_0 : i32, i32
  }
  func.func @transform_13(%arg0: i32) -> (i32, i32) {
    %c0_i32 = arith.constant 0 : i32
    %c0_i32_0 = arith.constant 0 : i32
    %c0_i32_1 = arith.constant 0 : i32
    return %c0_i32, %c0_i32_0 : i32, i32
  }
  func.func @transform_14(%arg0: i32) -> (i32, i32) {
    %c0_i32 = arith.constant 0 : i32
    %c0_i32_0 = arith.constant 0 : i32
    %c0_i32_1 = arith.constant 0 : i32
    return %c0_i32, %c0_i32_0 : i32, i32
  }
  func.func @transform_15(%arg0: i32) -> (i32, i32) {
    %c0_i32 = arith.constant 0 : i32
    %c0_i32_0 = arith.constant 0 : i32
    %c0_i32_1 = arith.constant 0 : i32
    return %c0_i32, %c0_i32_0 : i32, i32
  }
  func.func @transform_16(%arg0: i32) -> (i32, i32) {
    %c0_i32 = arith.constant 0 : i32
    %c0_i32_0 = arith.constant 0 : i32
    %c0_i32_1 = arith.constant 0 : i32
    return %c0_i32, %c0_i32_0 : i32, i32
  }
  func.func @transform_17(%arg0: i32) -> (i32, i32) {
    %c0_i32 = arith.constant 0 : i32
    %c0_i32_0 = arith.constant 0 : i32
    %c0_i32_1 = arith.constant 0 : i32
    return %c0_i32, %c0_i32_0 : i32, i32
  }
  func.func @transform_18(%arg0: i32) -> (i32, i32) {
    %c0_i32 = arith.constant 0 : i32
    %c0_i32_0 = arith.constant 0 : i32
    %c0_i32_1 = arith.constant 0 : i32
    return %c0_i32, %c0_i32_0 : i32, i32
  }
  func.func @transform_19(%arg0: i32) -> (i32, i32) {
    %c0_i32 = arith.constant 0 : i32
    %c0_i32_0 = arith.constant 0 : i32
    %c0_i32_1 = arith.constant 0 : i32
    return %c0_i32, %c0_i32_0 : i32, i32
  }
  func.func @transform_20(%arg0: i32) -> (i32, i32) {
    %c0_i32 = arith.constant 0 : i32
    %c0_i32_0 = arith.constant 0 : i32
    %c0_i32_1 = arith.constant 0 : i32
    return %c0_i32, %c0_i32_0 : i32, i32
  }
  func.func @transform_21(%arg0: i32) -> (i32, i32) {
    %c0_i32 = arith.constant 0 : i32
    %c0_i32_0 = arith.constant 0 : i32
    %c0_i32_1 = arith.constant 0 : i32
    return %c0_i32, %c0_i32_0 : i32, i32
  }
  func.func @transform_22(%arg0: i32) -> (i32, i32) {
    %c0_i32 = arith.constant 0 : i32
    %c0_i32_0 = arith.constant 0 : i32
    %c0_i32_1 = arith.constant 0 : i32
    return %c0_i32, %c0_i32_0 : i32, i32
  }
  func.func @transform_23(%arg0: i32) -> (i32, i32) {
    %c0_i32 = arith.constant 0 : i32
    %c0_i32_0 = arith.constant 0 : i32
    %c0_i32_1 = arith.constant 0 : i32
    return %c0_i32, %c0_i32_0 : i32, i32
  }
  func.func @transform_24(%arg0: i32) -> (i32, i32) {
    %c0_i32 = arith.constant 0 : i32
    %c0_i32_0 = arith.constant 0 : i32
    %c0_i32_1 = arith.constant 0 : i32
    return %c0_i32, %c0_i32_0 : i32, i32
  }
  func.func @transform_25(%arg0: i32) -> (i32, i32) {
    %c0_i32 = arith.constant 0 : i32
    %c0_i32_0 = arith.constant 0 : i32
    %c0_i32_1 = arith.constant 0 : i32
    return %c0_i32, %c0_i32_0 : i32, i32
  }
  func.func @transform_26(%arg0: i32) -> (i32, i32) {
    %c0_i32 = arith.constant 0 : i32
    %c0_i32_0 = arith.constant 0 : i32
    %c0_i32_1 = arith.constant 0 : i32
    return %c0_i32, %c0_i32_0 : i32, i32
  }
  func.func @transform_27(%arg0: i32) -> (i32, i32) {
    %c0_i32 = arith.constant 0 : i32
    %c0_i32_0 = arith.constant 0 : i32
    %c0_i32_1 = arith.constant 0 : i32
    return %c0_i32, %c0_i32_0 : i32, i32
  }
  func.func @transform_28(%arg0: i32) -> (i32, i32) {
    %c0_i32 = arith.constant 0 : i32
    %c0_i32_0 = arith.constant 0 : i32
    %c0_i32_1 = arith.constant 0 : i32
    return %c0_i32, %c0_i32_0 : i32, i32
  }
  func.func @transform_29(%arg0: i32) -> (i32, i32) {
    %c0_i32 = arith.constant 0 : i32
    %c0_i32_0 = arith.constant 0 : i32
    %c0_i32_1 = arith.constant 0 : i32
    return %c0_i32, %c0_i32_0 : i32, i32
  }
  func.func @transform_30(%arg0: i32) -> (i32, i32) {
    %c0_i32 = arith.constant 0 : i32
    %c0_i32_0 = arith.constant 0 : i32
    %c0_i32_1 = arith.constant 0 : i32
    return %c0_i32, %c0_i32_0 : i32, i32
  }
  func.func @transform_31(%arg0: i32) -> (i32, i32) {
    %c0_i32 = arith.constant 0 : i32
    %c0_i32_0 = arith.constant 0 : i32
    %c0_i32_1 = arith.constant 0 : i32
    return %c0_i32, %c0_i32_0 : i32, i32
  }
  func.func @transform_32(%arg0: i32) -> (i32, i32) {
    %c0_i32 = arith.constant 0 : i32
    %c0_i32_0 = arith.constant 0 : i32
    %c0_i32_1 = arith.constant 0 : i32
    return %c0_i32, %c0_i32_0 : i32, i32
  }
  func.func @transform_33(%arg0: i32) -> (i32, i32) {
    %c0_i32 = arith.constant 0 : i32
    %c0_i32_0 = arith.constant 0 : i32
    %c0_i32_1 = arith.constant 0 : i32
    return %c0_i32, %c0_i32_0 : i32, i32
  }
  func.func @transform_34(%arg0: i32) -> (i32, i32) {
    %c0_i32 = arith.constant 0 : i32
    %c0_i32_0 = arith.constant 0 : i32
    %c0_i32_1 = arith.constant 0 : i32
    return %c0_i32, %c0_i32_0 : i32, i32
  }
  func.func @transform_35(%arg0: i32) -> (i32, i32) {
    %c0_i32 = arith.constant 0 : i32
    %c0_i32_0 = arith.constant 0 : i32
    %c0_i32_1 = arith.constant 0 : i32
    return %c0_i32, %c0_i32_0 : i32, i32
  }
  func.func @transform_36(%arg0: i32) -> (i32, i32) {
    %c0_i32 = arith.constant 0 : i32
    %c0_i32_0 = arith.constant 0 : i32
    return %arg0, %c0_i32 : i32, i32
  }
}

</mosaic_0001>

<sc_bundles>
// kernel: kernel.6.cloned.1.call-start
scs
__scs_entry_jumppad:
0x0: {  	(pc) =	sbr.rel $0x88, $3  }
0x1: {  	(tag) =	ssettag $0x0;
	lr =	simm.s32 $0x1  }
0x2: {  	[smem:$0x3F81] =	sst lr;
	_ =	strace $0xD0000000  }
0x3: {  	_ = 	snop  }
0x4: {  	_ = 	snop  }
0x5: {  	_ = 	snop  }
0x6: {  	_ = 	snop  }
0x7: {  	_ = 	snop  }
__scs_overlays_trampoline_lowered:
0x8: {  	[smem:$0x3F90] =	sst s0  }
0x9: {  	[smem:$0x3F91] =	sst s1  }
0xa: {  	[smem:$0x3F92] =	sst s2  }
0xb: {  	[smem:$0x3F93] =	sst s3  }
0xc: {  	[smem:$0x3F94] =	sst s4  }
0xd: {  	[smem:$0x3F95] =	sst s5  }
0xe: {  	[smem:$0x3F96] =	sst s6  }
0xf: {  	[smem:$0x3F97] =	sst s7  }
0x10: {  	[smem:$0x3F98] =	sst s8  }
0x11: {  	[smem:$0x3F99] =	sst s9;
	s0 =	simm.s32 @!p0 $0x0  }
0x12: {  	s1 =	sld [smem:$0x3F7F];
	s0 =	simm.s32 @p0 $0x1  }
0x13: {  	[smem:$0x3F9A] =	sst s0;
	s0 =	simm.s32 @!p1 $0x0  }
0x14: {  	s2 =	sld [smem:$0x3F7E];
	s0 =	simm.s32 @p1 $0x1  }
0x15: {  	[smem:$0x3F9B] =	sst s0;
	s0 =	simm.s32 @!p2 $0x0  }
0x16: {  	s3 =	sld [smem:$0x3FDB];
	s0 =	simm.s32 @p2 $0x1  }
0x17: {  	s4 =	simm.s32 $0x1BF5;
	[smem:$0x3F9D] =	sst s0  }
0x18: {  	s0 =	sld [smem:$0x3F80];
	_ =	swait.ge [sflag:s4], $0x0  }
0x19: {  	s7 =	sld [smem:$0x3F81]  }
0x1a: {  	s8 =	sadd.s32 $0xFFFFE003, lr  }
0x1b: {  	s9 =	sadd.s32 $0xFFFFFEF7, lr;
	s5 =	simm.s32 $0xFFFFFFFF;
	p2 =	slt.u32 s8, $0xFFFFF086  }
0x1c: {  	p1 =	slt.u32 s9, $0xF7A;
	s5 =	simm.s32 @!p2 $0x0  }
0x1d: {  	s5 =	simm.s32 @p1 $0x1;
	p0 =	seq.s32 s7, s2  }
0x1e: {  	s7 =	smul.u32 @!p0 $0xF7A, s2;
	p2 =	seq.s32 @!p0 s5, $0x0  }
0x1f: {  	s9 =	smul.u32 $0xF7A, s1;
	s8 =	simm.s32 @!p0 $0x1BF5;
	p2 =	por !p2, p0  }
0x20: {  	[sflag:s8] =	ssyncset.s32 @!p0 $0xFFFFF086;
	s6 =	sadd.s32 @!p0 s3, s7;
	s7 =	simm.s32 @!p0 $0x108  }
0x21: {  	s3 =	sadd.s32 s3, s9;
	s6 =	sadd.s32 @!p0 $0x88, s6;
	s7 =	simm.s32 @p2 $0x1082  }
0x22: {  	[simem:s7], [sflag:s8] =	dma.local @!p0 [hbm:s6], $0xF7A  }
0x23: {  	s9 =	sor.u32 $0xD0000000, s2;
	s6 =	simm.s32 $0x108;
	_ =	swait.ge @!p0 [sflag:s8], $0x0  }
0x24: {  	s3 =	sadd.s32 $0x88, s3;
	s6 =	simm.s32 @!p1 $0x1082;
	[sflag:s4] =	ssyncset.s32 $0xFFFFF086  }
0x25: {  	[simem:s6], [sflag:s4] =	dma.local [hbm:s3], $0xF7A  }
0x26: {  	[smem:$0x3F81] =	sst s1;
	(tag) =	ssettag s2;
	_ =	strace s9  }
0x27: {  	s1 =	sld [smem:$0x3F91]  }
0x28: {  	s2 =	sld [smem:$0x3F92]  }
0x29: {  	s4 =	sld [smem:$0x3F94]  }
0x2a: {  	p0 =	seq.s32 s5, $0x0;
	s5 =	sld [smem:$0x3F95]  }
0x2b: {  	s6 =	sld [smem:$0x3F96]  }
0x2c: {  	s7 =	sld [smem:$0x3F97]  }
0x2d: {  	s3 =	simm.s32 $0x108;
	s8 =	sld [smem:$0x3F98]  }
0x2e: {  	s3 =	simm.s32 @!p0 $0x1082;
	s9 =	sld [smem:$0x3F99]  }
0x2f: {  	lr =	sadd.s32 s0, s3;
	s0 =	sld [smem:$0x3F90]  }
0x30: {  	s3 =	sld [smem:$0x3F93]  }
0x31: {  	[smem:$0x3F9C] =	sst s10  }
0x32: {  	s10 =	sld [smem:$0x3F9A];
	_ =	sdelay $0x3  }
0x33: {  	p0 =	seq.s32 s10, $0x1;
	s10 =	sld [smem:$0x3F9C];
	_ =	sdelay $0x3  }
0x34: {  	[smem:$0x3F9C] =	sst s10  }
0x35: {  	s10 =	sld [smem:$0x3F9B];
	_ =	sdelay $0x3  }
0x36: {  	p1 =	seq.s32 s10, $0x1;
	s10 =	sld [smem:$0x3F9C];
	_ =	sdelay $0x3  }
0x37: {  	[smem:$0x3F9C] =	sst s10  }
0x38: {  	s10 =	sld [smem:$0x3F9D]  }
0x39: {  	_ = 	snop;
	(pc) =	sbr.ind lr, $3  }
0x3a: {  	_ = 	snop  }
0x3b: {  	_ = 	snop  }
0x3c: {  	p2 =	seq.s32 s10, $0x1;
	s10 =	sld [smem:$0x3F9C]  }
0x3d: {  	_ =	shalt  }
0x3e: {  	_ =	shalt  }
0x3f: {  	_ =	shalt  }
0x40: {  	_ =	shalt  }
0x41: {  	_ =	shalt  }
0x42: {  	_ =	shalt  }
0x43: {  	_ =	shalt  }
0x44: {  	_ =	shalt  }
0x45: {  	_ =	shalt  }
0x46: {  	_ =	shalt  }
0x47: {  	_ =	shalt  }
0x48: {  	_ =	shalt  }
0x49: {  	_ =	shalt  }
0x4a: {  	_ =	shalt  }
0x4b: {  	_ =	shalt  }
0x4c: {  	_ =	shalt  }
0x4d: {  	_ =	shalt  }
0x4e: {  	_ =	shalt  }
0x4f: {  	_ =	shalt  }
0x50: {  	_ =	shalt  }
0x51: {  	_ =	shalt  }
0x52: {  	_ =	shalt  }
0x53: {  	_ =	shalt  }
0x54: {  	_ =	shalt  }
0x55: {  	_ =	shalt  }
0x56: {  	_ =	shalt  }
0x57: {  	_ =	shalt  }
0x58: {  	_ =	shalt  }
0x59: {  	_ =	shalt  }
0x5a: {  	_ =	shalt  }
0x5b: {  	_ =	shalt  }
0x5c: {  	_ =	shalt  }
0x5d: {  	_ =	shalt  }
0x5e: {  	_ =	shalt  }
0x5f: {  	_ =	shalt  }
0x60: {  	_ =	shalt  }
0x61: {  	_ =	shalt  }
0x62: {  	_ =	shalt  }
0x63: {  	_ =	shalt  }
0x64: {  	_ =	shalt  }
0x65: {  	_ =	shalt  }
0x66: {  	_ =	shalt  }
0x67: {  	_ =	shalt  }
0x68: {  	_ =	shalt  }
0x69: {  	_ =	shalt  }
0x6a: {  	_ =	shalt  }
0x6b: {  	_ =	shalt  }
0x6c: {  	_ =	shalt  }
0x6d: {  	_ =	shalt  }
0x6e: {  	_ =	shalt  }
0x6f: {  	_ =	shalt  }
0x70: {  	_ =	shalt  }
0x71: {  	_ =	shalt  }
0x72: {  	_ =	shalt  }
0x73: {  	_ =	shalt  }
0x74: {  	_ =	shalt  }
0x75: {  	_ =	shalt  }
0x76: {  	_ =	shalt  }
0x77: {  	_ =	shalt  }
0x78: {  	_ =	shalt  }
0x79: {  	_ =	shalt  }
0x7a: {  	_ =	shalt  }
0x7b: {  	_ =	shalt  }
0x7c: {  	_ =	shalt  }
0x7d: {  	_ =	shalt  }
0x7e: {  	_ =	shalt  }
0x7f: {  	_ =	shalt  }
0x80: {  	_ =	shalt  }
0x81: {  	_ =	shalt  }
0x82: {  	_ =	shalt  }
0x83: {  	_ =	shalt  }
0x84: {  	_ =	shalt  }
0x85: {  	_ =	shalt  }
0x86: {  	_ =	shalt  }
0x87: {  	_ =	shalt  }
.Lfunc_end0:
.L_simem_size_0:
called_computation_lowered:
.L_overlay_start_0:
0x88: {  	s2 =	sld [smem:$0x3FD9]  }
0x89: {  	s3 =	sld [smem:$0x3FFE];
	_ =	sdelay $0x1  }
0x8a: {  	s1 =	srdreg.scid  }
0x8b: {  	s0 =	sand.u32 $0x1, s1  }
0x8c: {  	s16 =	sshll.u32 s0, $0xA;
	s2 =	sadd.s32 s3, s2  }
0x8d: {  	s2 =	sadd.s32 s2, s16  }
0x8e: {  	[smem:$0x3FA8] =	sst s2  }
0x8f: {  	_ = 	snop  }
0x90: {  	(tm) =	ssettm $0x1  }
0x91: {  	s17 =	sld [smem:$0x3FFB];
	_ =	sdelay $0x3  }
0x92: {  	_ =	strace s17  }
0x93: {  	s2 =	sld [smem:$0x3FFC];
	_ =	sdelay $0x3  }
0x94: {  	_ =	strace s2  }
0x95: {  	s2 =	sld [smem:$0x3FFD];
	_ =	sdelay $0x3  }
0x96: {  	_ =	strace s2  }
0x97: {  	_ =	strace $0x8FFFFFFF  }
0x98: {  	s18 =	sld [smem:$0x3FDB];
	_ =	sdelay $0x1  }
0x99: {  	s19 =	simm.s32 $_scs_section_size  }
0x9a: {  	s4 =	simm.s32 $_size__tile_overlayer_lowered;
	s5 =	simm.s32 $_tile_overlayer_lowered  }
0x9b: {  	s22 =	simm.s32 $0x1BFF;
	s21 =	sshll.u32 s5, $0x1;
	s2 =	sadd.s32 s19, s18  }
0x9c: {  	s6 =	simm.s32 $0x0;
	s20 =	sshll.u32 s4, $0x1;
	s4 =	sadd.s32 s21, s2  }
0x9d: {  	[timem:s6], [sflag:s22] =	dma.local [hbm:s4], s20  }
0x9e: {  	_ =	swait.ge [sflag:s22], s20  }
0x9f: {  	s3 =	ssub.s32 $0x0, s20;
	[sflag:s22] =	ssyncset.done $0x0  }
0xa0: {  	[sflag:s22] =	ssyncadd.s32 s3;
	_ =	sdelay $0x1  }
0xa1: {  	s23 =	simm.s32 $0x1B8B  }
0xa2: {  	_ =	swait.ge [sflag:s23], $0x1  }
0xa3: {  	[sflag:s23] =	ssyncset.done $0x0  }
0xa4: {  	s25 =	simm.s32 $0x1B8E;
	s24 =	sld [smem:$0x3FFE];
	[sflag:s23] =	ssyncadd.s32 $0xFFFFFFFF  }
0xa5: {  	s26 =	simm.s32 $execute0_lowered;
	[smem:$0x3FD2] =	sst s25  }
0xa6: {  	s4 =	sshll.u32 s26, $0x1;
	_ =	strace $0x80000046;
	[dreg:$0x1] =	wrdreg $0xFFFFFFFF  }
0xa7: {  	s28 =	simm.s32 $_size_execute0_lowered;
	s2 =	sadd.s32 s2, s4;
	[dreg:$0x0] =	wrdreg $0x0  }
0xa8: {  	s4 =	sshll.u32 s28, $0x1;
	[dreg:$0x2] =	wrdreg s2  }
0xa9: {  	[dreg:$0x3] =	wrdreg s4  }
0xaa: {  	[dreg:$0x4] =	wrdreg $0xC0  }
0xab: {  	_ =	task [dreg:s6], $0x5FFFF  }
0xac: {  	[dreg:$0x1] =	wrdreg $0xFFFFFFFF  }
0xad: {  	[dreg:$0x0] =	wrdreg $0x60  }
0xae: {  	[dreg:$0x2] =	wrdreg s24  }
0xaf: {  	[dreg:$0x3] =	wrdreg $0x9  }
0xb0: {  	_ =	task.clear_ibuf [dreg:s6], $0x4FFFF;
	_ =	strace $0x90000046  }
0xb1: {  	s29 =	simm.s32 $0x9;
	_ =	strace $0x80000048  }
0xb2: {  	_ =	swait.ge [sflag:s29], $0x1  }
0xb3: {  	[sflag:s29] =	ssyncadd.s32 $0xFFFFFFFF  }
0xb4: {  	_ =	strace $0x90000048  }
0xb5: {  	_ =	sfence  }
0xb6: {  	s30 =	sld [smem:$0x0];
	_ =	sdelay $0x2  }
0xb7: {  	s31 =	sshll.u32 s1, $0xD;
	s1 =	sshrl.u32 s1, $0x2  }
0xb8: {  	s3 =	sand.u32 $0x4000, s31;
	s1 =	sadd.s32 s1, s30  }
0xb9: {  	s0 =	sor.u32 s3, s0;
	s1 =	sshll.u32 s1, $0x11  }
0xba: {  	s0 =	sor.u32 s1, s0  }
0xbb: {  	s0 =	sadd.s32 $0x8F2B, s0  }
0xbc: {  	[sflag:s0] =	ssyncadd.remote.s32 $0x1  }
0xbd: {  	_ =	sfence.sel $0xFFFF  }
0xbe: {  	[dreg:$0x0] =	wrdreg $0xFFFFFFFF;
	(pc) =	sbr.abs _section_cstart, $3  }
0xbf: {  	[dreg:$0x1] =	wrdreg $0xFFFFFFFF  }
0xc0: {  	_ =	task.clear_ibuf [dreg:s6], $0x2FFFF;
	_ =	strace $0x9FFFFFFF  }
0xc1: {  	(tm) =	ssettm $0x7FFFFFFF  }
tec
execute0_lowered:
.L_overlay_start_1:
0x0: {  	(tag) =	ssettag $0x1  }
0x1: {  	s1 =	srdreg.scid  }
0x2: {  	s0 =	stileid.u32;
	s24 =	sand.u32 $0x1, s1  }
0x3: {  	s13 =	rddreg [dreg:$0x0];
	s3 =	sshll.u32 s0, $0xA;
	s4 =	sshll.u32 s24, $0x9  }
0x4: {  	s2 =	simm.s32 $0x0;
	s1 =	rddreg [dreg:$0x1];
	s25 =	sor.u32 s4, s3  }
0x5: {  	[smem:$0x7FF] =	sst s2;
	s22 =	sadd.s32 $0xF85A00, s13;
	s5 =	sshrl.u32 s25, $0x3  }
0x6: {  	_ =	strace $0x80000047;
	s3 =	simm.s32 $0x2;
	s4 =	sadd.s32 s22, s5  }
0x7: {  	[tilespmem:s2], [sflag:$0x2] =	stream.linear.gather [hbm4b:s4+s2], $0x80, $0x38;
	[tilespmem:$0x8100] =	vst v63  }
0x8: {  	_ =	swait.ge [sflag:s3], $0x80  }
0x9: {  	s23 =	sadd.s32 $0xF85200, s13;
	[sflag:s3] =	ssyncset.done $0x0  }
0xa: {  	s6 =	simm.s32 $0x80;
	s5 =	sadd.s32 s23, s5;
	[sflag:s3] =	ssyncadd.s32 $0xFFFFFF80  }
0xb: {  	[tilespmem:s6], [sflag:$0x2] =	stream.linear.gather [hbm4b:s5+s2], $0x80, $0x38;
	[tilespmem:$0x8100] =	vst v63  }
0xc: {  	_ =	swait.ge [sflag:s3], $0x80  }
0xd: {  	[sflag:s3] =	ssyncset.done $0x0  }
0xe: {  	s8 =	simm.s32 $0x100;
	s7 =	sadd.s32 $0x5200, s13;
	[sflag:s3] =	ssyncadd.s32 $0xFFFFFF80  }
0xf: {  	[tilespmem:s8], [sflag:$0x1] =	stream.indirect.gather [hbm4b:s7+s6], $0x80, s2, s6, $0xb8;
	[tilespmem:$0x8100] =	vst v63  }
0x10: {  	s10 =	simm.s32 $0x4100;
	s11 =	simm.s32 $0x1;
	s9 =	sadd.s32 $0x7C5200, s13  }
0x11: {  	[tilespmem:s10], [sflag:$0x1] =	stream.indirect.gather [hbm4b:s9+s6], $0x80, s6, s6, $0xb8;
	[tilespmem:$0x8100] =	vst v63  }
0x12: {  	_ =	swait.ge [sflag:s11], $0x4000  }
0x13: {  	[sflag:s11] =	ssyncset.done $0x0  }
0x14: {  	[sflag:s11] =	ssyncadd.s32 $0xFFFFC000  }
0x15: {  	_ =	swait.ge [sflag:s11], $0x4000  }
0x16: {  	s26 =	sadd.s32 $0xF86A00, s13;
	s14 =	sshll.u32 s25, $0x4;
	[sflag:s11] =	ssyncset.done $0x0  }
0x17: {  	s12 =	sadd.s32 s26, s14;
	[sflag:s11] =	ssyncadd.s32 $0xFFFFC000  }
0x18: {  	[hbm4b:s12+s2] =	stream.linear.scatter [tilespmem:s8], [sflag:$0x2], $0x4000, $0x38;
	[tilespmem:$0x8100] =	vst v63  }
0x19: {  	_ =	swait.ge [sflag:s3], $0x4000  }
0x1a: {  	s28 =	sadd.s32 $0xFC6A00, s13;
	[sflag:s3] =	ssyncset.done $0x0  }
0x1b: {  	s13 =	sadd.s32 s28, s14;
	[sflag:s3] =	ssyncadd.s32 $0xFFFFC000  }
0x1c: {  	[hbm4b:s13+s2] =	stream.linear.scatter [tilespmem:s10], [sflag:$0x2], $0x4000, $0x38;
	[tilespmem:$0x8100] =	vst v63  }
0x1d: {  	s16 =	sor.u32 $0x80, s25;
	_ =	swait.ge [sflag:s3], $0x4000  }
0x1e: {  	s15 =	sshrl.u32 s16, $0x3;
	[sflag:s3] =	ssyncset.done $0x0  }
0x1f: {  	s14 =	sadd.s32 s22, s15;
	[sflag:s3] =	ssyncadd.s32 $0xFFFFC000  }
0x20: {  	[tilespmem:s2], [sflag:$0x2] =	stream.linear.gather [hbm4b:s14+s2], $0x80, $0x38;
	[tilespmem:$0x8100] =	vst v63  }
0x21: {  	_ =	swait.ge [sflag:s3], $0x80  }
0x22: {  	[sflag:s3] =	ssyncset.done $0x0  }
0x23: {  	s15 =	sadd.s32 s23, s15;
	[sflag:s3] =	ssyncadd.s32 $0xFFFFFF80  }
0x24: {  	[tilespmem:s6], [sflag:$0x2] =	stream.linear.gather [hbm4b:s15+s2], $0x80, $0x38;
	[tilespmem:$0x8100] =	vst v63  }
0x25: {  	_ =	swait.ge [sflag:s3], $0x80  }
0x26: {  	[sflag:s3] =	ssyncset.done $0x0  }
0x27: {  	[sflag:s3] =	ssyncadd.s32 $0xFFFFFF80  }
0x28: {  	[tilespmem:s8], [sflag:$0x1] =	stream.indirect.gather [hbm4b:s7+s6], $0x80, s2, s6, $0xb8;
	[tilespmem:$0x8100] =	vst v63  }
0x29: {  	_ = 	snop  }
0x2a: {  	[tilespmem:s10], [sflag:$0x1] =	stream.indirect.gather [hbm4b:s9+s6], $0x80, s6, s6, $0xb8;
	[tilespmem:$0x8100] =	vst v63  }
0x2b: {  	_ =	swait.ge [sflag:s11], $0x4000  }
0x2c: {  	[sflag:s11] =	ssyncset.done $0x0  }
0x2d: {  	[sflag:s11] =	ssyncadd.s32 $0xFFFFC000  }
0x2e: {  	_ =	swait.ge [sflag:s11], $0x4000  }
0x2f: {  	s17 =	sshll.u32 s16, $0x4;
	[sflag:s11] =	ssyncset.done $0x0  }
0x30: {  	s16 =	sadd.s32 s26, s17;
	[sflag:s11] =	ssyncadd.s32 $0xFFFFC000  }
0x31: {  	[hbm4b:s16+s2] =	stream.linear.scatter [tilespmem:s8], [sflag:$0x2], $0x4000, $0x38;
	[tilespmem:$0x8100] =	vst v63  }
0x32: {  	_ =	swait.ge [sflag:s3], $0x4000  }
0x33: {  	[sflag:s3] =	ssyncset.done $0x0  }
0x34: {  	s17 =	sadd.s32 s28, s17;
	[sflag:s3] =	ssyncadd.s32 $0xFFFFC000  }
0x35: {  	[hbm4b:s17+s2] =	stream.linear.scatter [tilespmem:s10], [sflag:$0x2], $0x4000, $0x38;
	[tilespmem:$0x8100] =	vst v63  }
0x36: {  	s20 =	sor.u32 $0x100, s25;
	_ =	swait.ge [sflag:s3], $0x4000  }
0x37: {  	s19 =	sshrl.u32 s20, $0x3;
	[sflag:s3] =	ssyncset.done $0x0  }
0x38: {  	s18 =	sadd.s32 s22, s19;
	[sflag:s3] =	ssyncadd.s32 $0xFFFFC000  }
0x39: {  	[tilespmem:s2], [sflag:$0x2] =	stream.linear.gather [hbm4b:s18+s2], $0x80, $0x38;
	[tilespmem:$0x8100] =	vst v63  }
0x3a: {  	_ =	swait.ge [sflag:s3], $0x80  }
0x3b: {  	[sflag:s3] =	ssyncset.done $0x0  }
0x3c: {  	s19 =	sadd.s32 s23, s19;
	[sflag:s3] =	ssyncadd.s32 $0xFFFFFF80  }
0x3d: {  	[tilespmem:s6], [sflag:$0x2] =	stream.linear.gather [hbm4b:s19+s2], $0x80, $0x38;
	[tilespmem:$0x8100] =	vst v63  }
0x3e: {  	_ =	swait.ge [sflag:s3], $0x80  }
0x3f: {  	[sflag:s3] =	ssyncset.done $0x0  }
0x40: {  	[sflag:s3] =	ssyncadd.s32 $0xFFFFFF80  }
0x41: {  	[tilespmem:s8], [sflag:$0x1] =	stream.indirect.gather [hbm4b:s7+s6], $0x80, s2, s6, $0xb8;
	[tilespmem:$0x8100] =	vst v63  }
0x42: {  	_ = 	snop  }
0x43: {  	[tilespmem:s10], [sflag:$0x1] =	stream.indirect.gather [hbm4b:s9+s6], $0x80, s6, s6, $0xb8;
	[tilespmem:$0x8100] =	vst v63  }
0x44: {  	_ =	swait.ge [sflag:s11], $0x4000  }
0x45: {  	[sflag:s11] =	ssyncset.done $0x0  }
0x46: {  	[sflag:s11] =	ssyncadd.s32 $0xFFFFC000  }
0x47: {  	_ =	swait.ge [sflag:s11], $0x4000  }
0x48: {  	s21 =	sshll.u32 s20, $0x4;
	[sflag:s11] =	ssyncset.done $0x0  }
0x49: {  	s20 =	sadd.s32 s26, s21;
	[sflag:s11] =	ssyncadd.s32 $0xFFFFC000  }
0x4a: {  	[hbm4b:s20+s2] =	stream.linear.scatter [tilespmem:s8], [sflag:$0x2], $0x4000, $0x38;
	[tilespmem:$0x8100] =	vst v63  }
0x4b: {  	_ =	swait.ge [sflag:s3], $0x4000  }
0x4c: {  	[sflag:s3] =	ssyncset.done $0x0  }
0x4d: {  	s21 =	sadd.s32 s28, s21;
	[sflag:s3] =	ssyncadd.s32 $0xFFFFC000  }
0x4e: {  	[hbm4b:s21+s2] =	stream.linear.scatter [tilespmem:s10], [sflag:$0x2], $0x4000, $0x38;
	[tilespmem:$0x8100] =	vst v63  }
0x4f: {  	s25 =	sor.u32 $0x180, s25;
	_ =	swait.ge [sflag:s3], $0x4000  }
0x50: {  	s29 =	sshrl.u32 s25, $0x3;
	[sflag:s3] =	ssyncset.done $0x0  }
0x51: {  	s22 =	sadd.s32 s22, s29;
	[sflag:s3] =	ssyncadd.s32 $0xFFFFC000  }
0x52: {  	[tilespmem:s2], [sflag:$0x2] =	stream.linear.gather [hbm4b:s22+s2], $0x80, $0x38;
	[tilespmem:$0x8100] =	vst v63  }
0x53: {  	_ =	swait.ge [sflag:s3], $0x80  }
0x54: {  	[sflag:s3] =	ssyncset.done $0x0  }
0x55: {  	s23 =	sadd.s32 s23, s29;
	[sflag:s3] =	ssyncadd.s32 $0xFFFFFF80  }
0x56: {  	[tilespmem:s6], [sflag:$0x2] =	stream.linear.gather [hbm4b:s23+s2], $0x80, $0x38;
	[tilespmem:$0x8100] =	vst v63  }
0x57: {  	_ =	swait.ge [sflag:s3], $0x80  }
0x58: {  	[sflag:s3] =	ssyncset.done $0x0  }
0x59: {  	[sflag:s3] =	ssyncadd.s32 $0xFFFFFF80  }
0x5a: {  	[tilespmem:s8], [sflag:$0x1] =	stream.indirect.gather [hbm4b:s7+s6], $0x80, s2, s6, $0xb8;
	[tilespmem:$0x8100] =	vst v63  }
0x5b: {  	_ = 	snop  }
0x5c: {  	[tilespmem:s10], [sflag:$0x1] =	stream.indirect.gather [hbm4b:s9+s6], $0x80, s6, s6, $0xb8;
	[tilespmem:$0x8100] =	vst v63  }
0x5d: {  	_ =	swait.ge [sflag:s11], $0x4000  }
0x5e: {  	[sflag:s11] =	ssyncset.done $0x0  }
0x5f: {  	s30 =	ssub.s32 $0x2, s24;
	[sflag:s11] =	ssyncadd.s32 $0xFFFFC000  }
0x60: {  	s31 =	sshrl.u32 s30, $0x1;
	s25 =	sshll.u32 s25, $0x4;
	_ =	swait.ge [sflag:s11], $0x4000  }
0x61: {  	s24 =	sadd.s32 s26, s25;
	s26 =	ssub.s32 s30, s31;
	[sflag:s11] =	ssyncset.done $0x0  }
0x62: {  	s26 =	smax.u32 s26, $0x1;
	[sflag:s11] =	ssyncadd.s32 $0xFFFFC000  }
0x63: {  	[hbm4b:s24+s2] =	stream.linear.scatter [tilespmem:s8], [sflag:$0x2], $0x4000, $0x38;
	[tilespmem:$0x8100] =	vst v63  }
0x64: {  	p0 =	sne.s32 s26, $0x1;
	_ =	swait.ge [sflag:s3], $0x4000  }
.Ltmp0:
0x65: {  	[sflag:s3] =	ssyncset.done $0x0;
	(pc) =	sbr.rel @!p0 .LBB2_2-.Ltmp0, $4  }
0x66: {  	s25 =	sadd.s32 s28, s25;
	[sflag:s3] =	ssyncadd.s32 $0xFFFFC000  }
0x67: {  	[hbm4b:s25+s2] =	stream.linear.scatter [tilespmem:s10], [sflag:$0x2], $0x4000, $0x38;
	[tilespmem:$0x8100] =	vst v63  }
0x68: {  	_ =	swait.ge [sflag:s3], $0x4000  }
0x69: {  	s26 =	sadd.s32 $0xFFFFFFFF, s26;
	[sflag:s3] =	ssyncset.done $0x0  }
.LBB2_1:
0x6a: {  	p0 =	sne.s32 s26, $0x1;
	s26 =	sadd.s32 $0xFFFFFFFF, s26;
	[sflag:s3] =	ssyncadd.s32 $0xFFFFC000  }
0x6b: {  	[tilespmem:s2], [sflag:$0x2] =	stream.linear.gather [hbm4b:s4+s2], $0x80, $0x38;
	[tilespmem:$0x8100] =	vst v63  }
0x6c: {  	_ =	swait.ge [sflag:s3], $0x80  }
0x6d: {  	[sflag:s3] =	ssyncset.done $0x0  }
0x6e: {  	[sflag:s3] =	ssyncadd.s32 $0xFFFFFF80  }
0x6f: {  	[tilespmem:s6], [sflag:$0x2] =	stream.linear.gather [hbm4b:s5+s2], $0x80, $0x38;
	[tilespmem:$0x8100] =	vst v63  }
0x70: {  	_ =	swait.ge [sflag:s3], $0x80  }
0x71: {  	[sflag:s3] =	ssyncset.done $0x0  }
0x72: {  	[sflag:s3] =	ssyncadd.s32 $0xFFFFFF80  }
0x73: {  	[tilespmem:s8], [sflag:$0x1] =	stream.indirect.gather [hbm4b:s7+s6], $0x80, s2, s6, $0xb8;
	[tilespmem:$0x8100] =	vst v63  }
0x74: {  	_ = 	snop  }
0x75: {  	[tilespmem:s10], [sflag:$0x1] =	stream.indirect.gather [hbm4b:s9+s6], $0x80, s6, s6, $0xb8;
	[tilespmem:$0x8100] =	vst v63  }
0x76: {  	_ =	swait.ge [sflag:s11], $0x4000  }
0x77: {  	[sflag:s11] =	ssyncset.done $0x0  }
0x78: {  	[sflag:s11] =	ssyncadd.s32 $0xFFFFC000  }
0x79: {  	_ =	swait.ge [sflag:s11], $0x4000  }
0x7a: {  	[sflag:s11] =	ssyncset.done $0x0  }
0x7b: {  	[sflag:s11] =	ssyncadd.s32 $0xFFFFC000  }
0x7c: {  	[hbm4b:s12+s2] =	stream.linear.scatter [tilespmem:s8], [sflag:$0x2], $0x4000, $0x38;
	[tilespmem:$0x8100] =	vst v63  }
0x7d: {  	_ =	swait.ge [sflag:s3], $0x4000  }
0x7e: {  	[sflag:s3] =	ssyncset.done $0x0  }
0x7f: {  	[sflag:s3] =	ssyncadd.s32 $0xFFFFC000  }
0x80: {  	[hbm4b:s13+s2] =	stream.linear.scatter [tilespmem:s10], [sflag:$0x2], $0x4000, $0x38;
	[tilespmem:$0x8100] =	vst v63  }
0x81: {  	_ =	swait.ge [sflag:s3], $0x4000  }
0x82: {  	[sflag:s3] =	ssyncset.done $0x0  }
0x83: {  	[sflag:s3] =	ssyncadd.s32 $0xFFFFC000  }
0x84: {  	[tilespmem:s2], [sflag:$0x2] =	stream.linear.gather [hbm4b:s14+s2], $0x80, $0x38;
	[tilespmem:$0x8100] =	vst v63  }
0x85: {  	_ =	swait.ge [sflag:s3], $0x80  }
0x86: {  	[sflag:s3] =	ssyncset.done $0x0  }
0x87: {  	[sflag:s3] =	ssyncadd.s32 $0xFFFFFF80  }
0x88: {  	[tilespmem:s6], [sflag:$0x2] =	stream.linear.gather [hbm4b:s15+s2], $0x80, $0x38;
	[tilespmem:$0x8100] =	vst v63  }
0x89: {  	_ =	swait.ge [sflag:s3], $0x80  }
0x8a: {  	[sflag:s3] =	ssyncset.done $0x0  }
0x8b: {  	[sflag:s3] =	ssyncadd.s32 $0xFFFFFF80  }
0x8c: {  	[tilespmem:s8], [sflag:$0x1] =	stream.indirect.gather [hbm4b:s7+s6], $0x80, s2, s6, $0xb8;
	[tilespmem:$0x8100] =	vst v63  }
0x8d: {  	_ = 	snop  }
0x8e: {  	[tilespmem:s10], [sflag:$0x1] =	stream.indirect.gather [hbm4b:s9+s6], $0x80, s6, s6, $0xb8;
	[tilespmem:$0x8100] =	vst v63  }
0x8f: {  	_ =	swait.ge [sflag:s11], $0x4000  }
0x90: {  	[sflag:s11] =	ssyncset.done $0x0  }
0x91: {  	[sflag:s11] =	ssyncadd.s32 $0xFFFFC000  }
0x92: {  	_ =	swait.ge [sflag:s11], $0x4000  }
0x93: {  	[sflag:s11] =	ssyncset.done $0x0  }
0x94: {  	[sflag:s11] =	ssyncadd.s32 $0xFFFFC000  }
0x95: {  	[hbm4b:s16+s2] =	stream.linear.scatter [tilespmem:s8], [sflag:$0x2], $0x4000, $0x38;
	[tilespmem:$0x8100] =	vst v63  }
0x96: {  	_ =	swait.ge [sflag:s3], $0x4000  }
0x97: {  	[sflag:s3] =	ssyncset.done $0x0  }
0x98: {  	[sflag:s3] =	ssyncadd.s32 $0xFFFFC000  }
0x99: {  	[hbm4b:s17+s2] =	stream.linear.scatter [tilespmem:s10], [sflag:$0x2], $0x4000, $0x38;
	[tilespmem:$0x8100] =	vst v63  }
0x9a: {  	_ =	swait.ge [sflag:s3], $0x4000  }
0x9b: {  	[sflag:s3] =	ssyncset.done $0x0  }
0x9c: {  	[sflag:s3] =	ssyncadd.s32 $0xFFFFC000  }
0x9d: {  	[tilespmem:s2], [sflag:$0x2] =	stream.linear.gather [hbm4b:s18+s2], $0x80, $0x38;
	[tilespmem:$0x8100] =	vst v63  }
0x9e: {  	_ =	swait.ge [sflag:s3], $0x80  }
0x9f: {  	[sflag:s3] =	ssyncset.done $0x0  }
0xa0: {  	[sflag:s3] =	ssyncadd.s32 $0xFFFFFF80  }
0xa1: {  	[tilespmem:s6], [sflag:$0x2] =	stream.linear.gather [hbm4b:s19+s2], $0x80, $0x38;
	[tilespmem:$0x8100] =	vst v63  }
0xa2: {  	_ =	swait.ge [sflag:s3], $0x80  }
0xa3: {  	[sflag:s3] =	ssyncset.done $0x0  }
0xa4: {  	[sflag:s3] =	ssyncadd.s32 $0xFFFFFF80  }
0xa5: {  	[tilespmem:s8], [sflag:$0x1] =	stream.indirect.gather [hbm4b:s7+s6], $0x80, s2, s6, $0xb8;
	[tilespmem:$0x8100] =	vst v63  }
0xa6: {  	_ = 	snop  }
0xa7: {  	[tilespmem:s10], [sflag:$0x1] =	stream.indirect.gather [hbm4b:s9+s6], $0x80, s6, s6, $0xb8;
	[tilespmem:$0x8100] =	vst v63  }
0xa8: {  	_ =	swait.ge [sflag:s11], $0x4000  }
0xa9: {  	[sflag:s11] =	ssyncset.done $0x0  }
0xaa: {  	[sflag:s11] =	ssyncadd.s32 $0xFFFFC000  }
0xab: {  	_ =	swait.ge [sflag:s11], $0x4000  }
0xac: {  	[sflag:s11] =	ssyncset.done $0x0  }
0xad: {  	[sflag:s11] =	ssyncadd.s32 $0xFFFFC000  }
0xae: {  	[hbm4b:s20+s2] =	stream.linear.scatter [tilespmem:s8], [sflag:$0x2], $0x4000, $0x38;
	[tilespmem:$0x8100] =	vst v63  }
0xaf: {  	_ =	swait.ge [sflag:s3], $0x4000  }
0xb0: {  	[sflag:s3] =	ssyncset.done $0x0  }
0xb1: {  	[sflag:s3] =	ssyncadd.s32 $0xFFFFC000  }
0xb2: {  	[hbm4b:s21+s2] =	stream.linear.scatter [tilespmem:s10], [sflag:$0x2], $0x4000, $0x38;
	[tilespmem:$0x8100] =	vst v63  }
0xb3: {  	_ =	swait.ge [sflag:s3], $0x4000  }
0xb4: {  	[sflag:s3] =	ssyncset.done $0x0  }
0xb5: {  	[sflag:s3] =	ssyncadd.s32 $0xFFFFC000  }
0xb6: {  	[tilespmem:s2], [sflag:$0x2] =	stream.linear.gather [hbm4b:s22+s2], $0x80, $0x38;
	[tilespmem:$0x8100] =	vst v63  }
0xb7: {  	_ =	swait.ge [sflag:s3], $0x80  }
0xb8: {  	[sflag:s3] =	ssyncset.done $0x0  }
0xb9: {  	[sflag:s3] =	ssyncadd.s32 $0xFFFFFF80  }
0xba: {  	[tilespmem:s6], [sflag:$0x2] =	stream.linear.gather [hbm4b:s23+s2], $0x80, $0x38;
	[tilespmem:$0x8100] =	vst v63  }
0xbb: {  	_ =	swait.ge [sflag:s3], $0x80  }
0xbc: {  	[sflag:s3] =	ssyncset.done $0x0  }
0xbd: {  	[sflag:s3] =	ssyncadd.s32 $0xFFFFFF80  }
0xbe: {  	[tilespmem:s8], [sflag:$0x1] =	stream.indirect.gather [hbm4b:s7+s6], $0x80, s2, s6, $0xb8;
	[tilespmem:$0x8100] =	vst v63  }
0xbf: {  	_ = 	snop  }
0xc0: {  	[tilespmem:s10], [sflag:$0x1] =	stream.indirect.gather [hbm4b:s9+s6], $0x80, s6, s6, $0xb8;
	[tilespmem:$0x8100] =	vst v63  }
0xc1: {  	_ =	swait.ge [sflag:s11], $0x4000  }
0xc2: {  	[sflag:s11] =	ssyncset.done $0x0  }
0xc3: {  	[sflag:s11] =	ssyncadd.s32 $0xFFFFC000  }
0xc4: {  	_ =	swait.ge [sflag:s11], $0x4000  }
0xc5: {  	[sflag:s11] =	ssyncset.done $0x0  }
0xc6: {  	[sflag:s11] =	ssyncadd.s32 $0xFFFFC000  }
0xc7: {  	[hbm4b:s24+s2] =	stream.linear.scatter [tilespmem:s8], [sflag:$0x2], $0x4000, $0x38;
	[tilespmem:$0x8100] =	vst v63  }
0xc8: {  	_ =	swait.ge [sflag:s3], $0x4000  }
.Ltmp1:
0xc9: {  	[sflag:s3] =	ssyncset.done $0x0;
	(pc) =	sbr.rel @p0 .LBB2_1-.Ltmp1, $4  }
0xca: {  	[sflag:s3] =	ssyncadd.s32 $0xFFFFC000  }
0xcb: {  	[hbm4b:s25+s2] =	stream.linear.scatter [tilespmem:s10], [sflag:$0x2], $0x4000, $0x38;
	[tilespmem:$0x8100] =	vst v63  }
0xcc: {  	_ =	swait.ge [sflag:s3], $0x4000  }
0xcd: {  	[sflag:s3] =	ssyncset.done $0x0  }
.LBB2_2:
0xce: {  	[sflag:s3] =	ssyncadd.s32 $0xFFFFC000  }
0xcf: {  	_ =	sfence.sel $0x180000  }
0xd0: {  	[bflag:$0x0] =	sbarrier.arrive $0xFFFF  }
0xd1: {  	p0 =	sne.s32 s0, $0x0;
	_ =	strace $0x90000047  }
0xd2: {  	s0 =	sadd.s32 @!p0 $0x100000, s1;
	[bflag:$0x2] =	sbarrier.arrive $0xFFFF  }
0xd3: {  	[sflag:s0] =	ssyncadd.tile.s32 @!p0 $0x1;
	_ =	shalt  }
.Lfunc_end2:
_tile_overlayer_lowered:
.L_overlay_start_2:
0xd4: {  	(tag) =	ssettag $0x2  }
0xd5: {  	s0 =	rddreg [dreg:$0x0];
	s2 =	stileid.u32  }
0xd6: {  	s1 =	rddreg [dreg:$0x1];
	p0 =	sne.s32 s2, $0x0  }
0xd7: {  	s3 =	rddreg [dreg:$0x2];
	[bflag:$0x3] =	sbarrier.arrive $0xFFFF;
	s2 =	simm.s32 @!p0 $0x1C02  }
0xd8: {  	[timem:s3], [sflag:s2] =	dma.local @!p0 [hbm:s0], s1  }
0xd9: {  	s0 =	simm.s32 @!p0 $0x2  }
0xda: {  	_ =	swait.ge @!p0 [sflag:s0], s1  }
0xdb: {  	s1 =	ssub.s32 @!p0 $0x0, s1;
	[sflag:s0] =	ssyncset.done @!p0 $0x0  }
0xdc: {  	[sflag:s0] =	ssyncadd.s32 @!p0 s1  }
0xdd: {  	[bflag:$0x3] =	sbarrier.arrive $0xFFFF  }
0xde: {  	_ =	shalt  }

</sc_bundles>
